<compile_context>
chip_gen: v7x
topology: tpu7x:2x2x1
jax: 0.10.2.dev20260603
libtpu: 0.0.44.dev20260713+nightly
codegen_flags: <defaults>
</compile_context>

<pallas_src>
import numpy as np
import jax
import jax.numpy as jnp
from jax import lax
from jax.experimental import pallas as pl
from jax.experimental.pallas import tpu as pltpu
from jax.experimental.pallas import tpu_sc as plsc

N = 10000
E = 320000
C = 4
CD = 3

NC, NS, L = 2, 16, 16
NW = NC * NS
EPW = E // NW

CB2 = 80
CB5 = 80
NP = 10240
DCH = 80
DRND = NP // (DCH * NS)
CB7 = 400

EB3 = 2000
EB4 = 2000


def _radial_mats():
    ML = np.zeros((128, 48), np.float32)
    MR = np.zeros((128, 48), np.float32)
    for g in range(CD):
        for c in range(C):
            for f in range(C):
                ML[3 * c + g, g * 16 + c * 4 + f] = 1.0
                MR[3 * f + g, g * 16 + c * 4 + f] = 1.0
    return ML, MR


_ML_NP, _MR_NP = _radial_mats()


def _k1_body(h_ref, wq_ref, wkv_ref, bq_ref, bkv_ref, hq_ref, hkv_ref):
    h = h_ref[...]
    hq_ref[...] = jnp.dot(h, wq_ref[...], preferred_element_type=jnp.float32) + bq_ref[...]
    hkv_ref[...] = jnp.dot(h, wkv_ref[...], preferred_element_type=jnp.float32) + bkv_ref[...]


def _k2_body(row_hbm, col_hbm, ctab_hbm, hq_hbm, hkv_hbm,
             cd_hbm, hqr_hbm, hkvc_hbm,
             rowv, colv, ca, cb, cdv, qv, kvv, sem):
    c = lax.axis_index("c")
    s = lax.axis_index("s")
    wid = s * NC + c
    base = wid * EPW

    zero = jnp.zeros((L,), jnp.float32)

    def z8(j, carry):
        for kk in range(8):
            cdv[j, pl.ds(kk * L, L)] = zero
        return carry

    lax.fori_loop(0, CB2, z8, 0)

    def chunk(i, carry):
        off = base + i * CB2
        pltpu.sync_copy(row_hbm.at[pl.ds(off, CB2)], rowv)
        pltpu.sync_copy(col_hbm.at[pl.ds(off, CB2)], colv)
        cp1 = pltpu.async_copy(ctab_hbm.at[rowv], ca, sem)
        cp2 = pltpu.async_copy(ctab_hbm.at[colv], cb, sem)
        cp3 = pltpu.async_copy(hq_hbm.at[rowv], qv, sem)
        cp4 = pltpu.async_copy(hkv_hbm.at[colv], kvv, sem)
        cp1.wait()
        cp2.wait()
        cp3.wait()
        cp4.wait()

        def sub(j, carry2):
            cdv[j, pl.ds(0, L)] = ca[j, pl.ds(0, L)] - cb[j, pl.ds(0, L)]
            return carry2

        lax.fori_loop(0, CB2, sub, 0)
        pltpu.sync_copy(cdv, cd_hbm.at[pl.ds(off, CB2)])
        pltpu.sync_copy(qv, hqr_hbm.at[pl.ds(off, CB2)])
        pltpu.sync_copy(kvv, hkvc_hbm.at[pl.ds(off, CB2)])
        return carry

    lax.fori_loop(0, EPW // CB2, chunk, 0)


def _k3_body(cd_ref, ml_ref, mr_ref, cdrad_ref, ss_ref):
    cd = cd_ref[...]
    lm = jnp.dot(cd, ml_ref[...], preferred_element_type=jnp.float32)
    rm = jnp.dot(cd, mr_ref[...], preferred_element_type=jnp.float32)
    rad = (lm[:, 0:16] * rm[:, 0:16] + lm[:, 16:32] * rm[:, 16:32]
           + lm[:, 32:48] * rm[:, 32:48])
    cdrad_ref[...] = jnp.concatenate(
        [cd[:, 0:16], rad, cd[:, 32:128]], axis=1)

    @pl.when(pl.program_id(0) == 0)
    def _():
        ss_ref[...] = jnp.zeros_like(ss_ref)

    ss_ref[...] += jnp.sum(rad * rad, axis=0, keepdims=True)


def _k4_body(cdrad_ref, ea_ref, hqr_ref, hkvc_ref, ss_ref,
             wrk_ref, wrv_ref, wek_ref, wev_ref, wc1_ref, bc1_ref, wcb_ref,
             exv_ref, tr_ref):
    inv = 1.0 / jnp.maximum(jnp.sqrt(ss_ref[...]), 1e-12)
    cdrad = cdrad_ref[...]
    radn = cdrad[:, 16:32] * inv
    ea = ea_ref[...]
    k = (hkvc_ref[:, :128]
         + jnp.dot(radn, wrk_ref[...], preferred_element_type=jnp.float32)
         + jnp.dot(ea, wek_ref[...], preferred_element_type=jnp.float32))
    v = (hkvc_ref[:, 128:]
         + jnp.dot(radn, wrv_ref[...], preferred_element_type=jnp.float32)
         + jnp.dot(ea, wev_ref[...], preferred_element_type=jnp.float32))
    alpha = jnp.sum(hqr_ref[...] * k, axis=1, keepdims=True)
    ex = jnp.exp(alpha)
    exv_ref[...] = ex * v
    u = jnp.dot(v, wc1_ref[...], preferred_element_type=jnp.float32) + bc1_ref[...]
    su = u * jax.nn.sigmoid(u)
    cmb = jnp.dot(su, wcb_ref[...], preferred_element_type=jnp.float32)
    tr = cdrad * (ex * cmb)
    lane = lax.broadcasted_iota(jnp.int32, tr.shape, 1)
    tr = jnp.where(lane >= 3 * C, 0.0, tr)
    tr = jnp.where(lane == 15, ex, tr)
    tr_ref[...] = tr


def _k5_body(row_hbm, x_hbm, z_hbm, p_hbm, agg, idxv, dbuf):
    c = lax.axis_index("c")
    s = lax.axis_index("s")
    wid = s * NC + c

    def zinit(k, carry):
        r = (k * NS + s) * DCH
        pltpu.sync_copy(z_hbm.at[pl.ds(r, DCH)], dbuf)
        pltpu.sync_copy(dbuf, agg.at[pl.ds(r, DCH)])
        return carry

    lax.fori_loop(0, DRND, zinit, 0)
    plsc.subcore_barrier()

    base = wid * EPW

    def chunk(i, carry):
        off = base + i * CB5
        pltpu.sync_copy(row_hbm.at[pl.ds(off, CB5)], idxv)
        pltpu.sync_copy(x_hbm.at[pl.ds(off, CB5)], dbuf)
        pltpu.sync_copy(dbuf, agg.at[idxv], add=True)
        return carry

    lax.fori_loop(0, EPW // CB5, chunk, 0)
    plsc.subcore_barrier()

    def dump(k, carry):
        r = (k * NS + s) * DCH
        pltpu.sync_copy(agg.at[pl.ds(r, DCH)], dbuf)
        pltpu.sync_copy(dbuf, p_hbm.at[pl.ds(c * NP + r, DCH)])
        return carry

    lax.fori_loop(0, DRND, dump, 0)


def _k6_body(h_ref, c16_ref, pu_ref, pc_ref, hout_ref, cout_ref):
    aggc = pc_ref[0:N, 0:16] + pc_ref[NP:NP + N, 0:16]
    den = aggc[:, 15:16]
    rden = jnp.where(den != 0.0, 1.0 / den, 0.0)
    hout_ref[...] = h_ref[...] + (pu_ref[0:N, :] + pu_ref[NP:NP + N, :]) * rden
    cout_ref[...] = c16_ref[...] + aggc * rden


def _k7_body(row_hbm, tr_hbm, den_hbm, att_hbm, denv, idxv, trv, av):
    c = lax.axis_index("c")
    s = lax.axis_index("s")
    wid = s * NC + c
    base = wid * EPW
    l15 = jnp.full((L,), 15, jnp.int32)
    pltpu.sync_copy(den_hbm, denv)

    def chunk(i, carry):
        off = base + i * CB7
        pltpu.sync_copy(row_hbm.at[pl.ds(off, CB7)], idxv)
        pltpu.sync_copy(tr_hbm.at[pl.ds(off, CB7)], trv)

        def j16(j, carry2):
            eidx = idxv[pl.ds(j * L, L)]
            den = plsc.load_gather(denv, [eidx])
            ridx = j * L + lax.iota(jnp.int32, L)
            ex = plsc.load_gather(trv, [ridx, l15])
            av[pl.ds(j * L, L)] = ex / den
            return carry2

        lax.fori_loop(0, CB7 // L, j16, 0)
        pltpu.sync_copy(av, att_hbm.at[pl.ds(off, CB7)])
        return carry

    lax.fori_loop(0, EPW // CB7, chunk, 0)


_SC_MESH = dict(core_axis_name="c", subcore_axis_name="s",
                num_cores=NC, num_subcores=NS)


def kernel(h, edge_index, coord, edge_attr, Wq, bq, Wkv, bkv, Wc1, bc1, Wc2):
    f32 = jnp.float32
    row = edge_index[0]
    col = edge_index[1]
    ctab = jnp.pad(coord.reshape(N, C * CD), ((0, 0), (0, 128 - C * CD)))
    coord16 = ctab[:, :16]

    Wk = Wkv[0::2]
    Wv = Wkv[1::2]
    bk = bkv[0::2]
    bv = bkv[1::2]
    WqT = Wq.T
    WkvT = jnp.concatenate([Wk[:, 16:144].T, Wv[:, 16:144].T], axis=1)
    bkv1 = jnp.concatenate([bk, bv])[None, :]
    bq1 = bq[None, :]
    WrkT, WekT = Wk[:, :16].T, Wk[:, 144:].T
    WrvT, WevT = Wv[:, :16].T, Wv[:, 144:].T
    Wc1T = Wc1.T
    bc11 = bc1[None, :]
    WcB = jnp.zeros((128, 128), f32)
    for cc in range(C):
        for dd in range(CD):
            WcB = WcB.at[:, 3 * cc + dd].set(Wc2[cc, :])
    ML = jnp.asarray(_ML_NP)
    MR = jnp.asarray(_MR_NP)

    hq, hkv = pl.pallas_call(
        _k1_body,
        out_shape=[jax.ShapeDtypeStruct((N, 128), f32),
                   jax.ShapeDtypeStruct((N, 256), f32)],
    )(h, WqT, WkvT, bq1, bkv1)

    k2 = pl.kernel(
        _k2_body,
        out_type=[jax.ShapeDtypeStruct((E, 128), f32),
                  jax.ShapeDtypeStruct((E, 128), f32),
                  jax.ShapeDtypeStruct((E, 256), f32)],
        mesh=plsc.VectorSubcoreMesh(**_SC_MESH),
        compiler_params=pltpu.CompilerParams(needs_layout_passes=False),
        scratch_types=[pltpu.VMEM((CB2,), jnp.int32),
                       pltpu.VMEM((CB2,), jnp.int32),
                       pltpu.VMEM((CB2, 128), f32),
                       pltpu.VMEM((CB2, 128), f32),
                       pltpu.VMEM((CB2, 128), f32),
                       pltpu.VMEM((CB2, 128), f32),
                       pltpu.VMEM((CB2, 256), f32),
                       pltpu.SemaphoreType.DMA],
    )
    cd128, hqr, hkvc = k2(row, col, ctab, hq, hkv)

    cdrad, ss = pl.pallas_call(
        _k3_body,
        grid=(E // EB3,),
        in_specs=[pl.BlockSpec((EB3, 128), lambda i: (i, 0)),
                  pl.BlockSpec((128, 48), lambda i: (0, 0)),
                  pl.BlockSpec((128, 48), lambda i: (0, 0))],
        out_specs=[pl.BlockSpec((EB3, 128), lambda i: (i, 0)),
                   pl.BlockSpec((1, 16), lambda i: (0, 0))],
        out_shape=[jax.ShapeDtypeStruct((E, 128), f32),
                   jax.ShapeDtypeStruct((1, 16), f32)],
    )(cd128, ML, MR)

    exv, trans = pl.pallas_call(
        _k4_body,
        grid=(E // EB4,),
        in_specs=[pl.BlockSpec((EB4, 128), lambda i: (i, 0)),
                  pl.BlockSpec((EB4, 16), lambda i: (i, 0)),
                  pl.BlockSpec((EB4, 128), lambda i: (i, 0)),
                  pl.BlockSpec((EB4, 256), lambda i: (i, 0)),
                  pl.BlockSpec((1, 16), lambda i: (0, 0)),
                  pl.BlockSpec((16, 128), lambda i: (0, 0)),
                  pl.BlockSpec((16, 128), lambda i: (0, 0)),
                  pl.BlockSpec((16, 128), lambda i: (0, 0)),
                  pl.BlockSpec((16, 128), lambda i: (0, 0)),
                  pl.BlockSpec((128, 128), lambda i: (0, 0)),
                  pl.BlockSpec((1, 128), lambda i: (0, 0)),
                  pl.BlockSpec((128, 128), lambda i: (0, 0))],
        out_specs=[pl.BlockSpec((EB4, 128), lambda i: (i, 0)),
                   pl.BlockSpec((EB4, 128), lambda i: (i, 0))],
        out_shape=[jax.ShapeDtypeStruct((E, 128), f32),
                   jax.ShapeDtypeStruct((E, 128), f32)],
    )(cdrad, edge_attr, hqr, hkvc, ss,
      WrkT, WrvT, WekT, WevT, Wc1T, bc11, WcB)

    zu = jnp.zeros((NP, 128), f32)

    def make_k5():
        return pl.kernel(
            _k5_body,
            out_type=[jax.ShapeDtypeStruct((2 * NP, 128), f32)],
            mesh=plsc.VectorSubcoreMesh(**_SC_MESH),
            compiler_params=pltpu.CompilerParams(needs_layout_passes=False),
            scratch_types=[pltpu.VMEM_SHARED((NP, 128), f32),
                           pltpu.VMEM((CB5,), jnp.int32),
                           pltpu.VMEM((CB5, 128), f32)],
        )

    (pu,) = make_k5()(row, exv, zu)
    (pc,) = make_k5()(row, trans, zu)

    h_out, c16o = pl.pallas_call(
        _k6_body,
        out_shape=[jax.ShapeDtypeStruct((N, 128), f32),
                   jax.ShapeDtypeStruct((N, 16), f32)],
    )(h, coord16, pu, pc)

    den1d = pc[0:N, 15] + pc[NP:NP + N, 15]
    k7 = pl.kernel(
        _k7_body,
        out_type=[jax.ShapeDtypeStruct((E,), f32)],
        mesh=plsc.VectorSubcoreMesh(**_SC_MESH),
        compiler_params=pltpu.CompilerParams(needs_layout_passes=False),
        scratch_types=[pltpu.VMEM((N,), f32),
                       pltpu.VMEM((CB7,), jnp.int32),
                       pltpu.VMEM((CB7, 128), f32),
                       pltpu.VMEM((CB7,), f32)],
    )
    (att,) = k7(row, trans, den1d)

    coord_out = c16o[:, :12].reshape(N, C, CD)
    return h_out, coord_out, att

# --- scband reference (transcript-rebuilt; emitter-appended) ---
"""Pipeline reference for scband-cross-attention-layer-541165879462 (READ-ONLY COPY).

The authoritative reference and input builder live on the scoring server;
editing this copy changes nothing except your own understanding.
"""

import jax, jax.numpy as jnp
import numpy as np

N, E, D, H, C, CD, ED = 10000, 320000, 128, 128, 4, 3, 16

def setup_inputs(seed: int = 0) -> dict:
    key = jax.random.key(seed)
    ks = jax.random.split(key, 12)
    h = jax.random.normal(ks[0], (N, D), dtype=jnp.float32)
    edge_index = jax.random.randint(ks[1], (2, E), 0, N)
    coord = jax.random.normal(ks[2], (N, C, CD), dtype=jnp.float32)
    edge_attr = jax.random.normal(ks[3], (E, ED), dtype=jnp.float32)
    # parameters
    Wq = jax.random.normal(ks[4], (H, D), dtype=jnp.float32) * 0.05
    bq = jnp.zeros((H,), dtype=jnp.float32)
    Wkv = jax.random.normal(ks[5], (2 * H, D + C * C + ED), dtype=jnp.float32) * 0.05
    bkv = jnp.zeros((2 * H,), dtype=jnp.float32)
    Wc1 = jax.random.normal(ks[6], (H, H), dtype=jnp.float32) * 0.05
    bc1 = jnp.zeros((H,), dtype=jnp.float32)
    Wc2 = jax.random.normal(ks[7], (C, H), dtype=jnp.float32) * 0.001
    return {"h": h, "edge_index": edge_index, "coord": coord, "edge_attr": edge_attr,
            "Wq": Wq, "bq": bq, "Wkv": Wkv, "bkv": bkv, "Wc1": Wc1, "bc1": bc1, "Wc2": Wc2}

def reference(h, edge_index, coord, edge_attr, Wq, bq, Wkv, bkv, Wc1, bc1, Wc2):
    n_node = h.shape[0]
    row, col = edge_index[0], edge_index[1]
    # coord2radial
    coord_diff = coord[row] - coord[col]                       # [E, C, d]
    radial = jnp.einsum('ecd,efd->ecf', coord_diff, coord_diff)  # bmm -> [E, C, C]
    norm = jnp.sqrt(jnp.sum(radial * radial, axis=0, keepdims=True))  # F.normalize dim=0
    radial = radial / jnp.maximum(norm, 1e-12)
    # att_model
    source = h[row]
    target = h[col]
    q = source @ Wq.T + bq
    n_channel = radial.shape[1]
    radial_flat = radial.reshape(radial.shape[0], n_channel * n_channel)
    target_feat = jnp.concatenate([radial_flat, target, edge_attr], axis=1)
    kv = target_feat @ Wkv.T + bkv
    k = kv[..., 0::2]
    v = kv[..., 1::2]
    alpha = jnp.sum(q * k, axis=1)                             # [E]
    # scatter_softmax over segments given by row
    seg_max = jax.ops.segment_max(alpha, row, num_segments=n_node)
    seg_max = jnp.where(jnp.isfinite(seg_max), seg_max, 0.0)
    ex = jnp.exp(alpha - seg_max[row])
    den = jax.ops.segment_sum(ex, row, num_segments=n_node)
    att = ex / den[row]                                        # [E]
    att_w = att[:, None]
    # node_model (dropout in eval -> identity)
    agg = jax.ops.segment_sum(att_w * v, row, num_segments=n_node)
    h_out = h + agg
    # coord_model
    cm = jax.nn.silu(v @ Wc1.T + bc1) @ Wc2.T                  # [E, C]
    coord_v = att_w * cm
    trans = coord_diff * coord_v[:, :, None]                   # [E, C, d]
    agg_c = jax.ops.segment_sum(trans, row, num_segments=n_node)
    coord_out = coord + agg_c
    return (h_out, coord_out, att)

if __name__ == "__main__":
    import jax
    _d = setup_inputs()
    print(jax.jit(kernel)(*tuple(_d.values())))

</pallas_src>

<mosaic_0001>
#map = affine_map<(d0, d1) -> (0)>
#map1 = affine_map<(d0, d1) -> (0, 0)>
module attributes {stable_mosaic.version = 14 : i64} {
  func.func @_k5_body(%arg0: i32, %arg1: i32, %arg2: memref<320000xi32, #tpu.memory_space<hbm>>, %arg3: memref<320000x128xf32, #tpu.memory_space<hbm>>, %arg4: memref<10240x128xf32, #tpu.memory_space<hbm>>, %arg5: memref<20480x128xf32, #tpu.memory_space<hbm>>, %arg6: memref<10240x128xf32, #tpu.memory_space<vmem_shared>>, %arg7: memref<80xi32, #tpu.memory_space<vmem>>, %arg8: memref<80x128xf32, #tpu.memory_space<vmem>>) attributes {dimension_semantics = [#tpu.dimension_semantics<core_parallel>, #tpu.dimension_semantics<subcore_parallel>], iteration_bounds = array<i64: 2, 16>, scalar_prefetch = 0 : i64, scratch_operands = 3 : i64, tpu.core_type = #tpu.core_type<sc_vector_subcore>, window_params = [{transform_indices = #map}, {transform_indices = #map1}, {transform_indices = #map1}, {transform_indices = #map1}]} {
    %mul3A = arith.constant 2 : i32
    %mul3A_0 = arith.muli %arg1, %mul3A : i32
    %add3A = arith.addi %mul3A_0, %arg0 : i32
    %scan3A = arith.constant 0 : i32
    %scan3A_1 = arith.constant 0 : i32
    %scan3A_2 = arith.constant 8 : i32
    %scan3A_3 = arith.addi %scan3A_1, %scan3A_2 : i32
    %scan3A_4 = arith.constant 1 : i32
    scf.for %scan3A_21 = %scan3A_1 to %scan3A_3 step %scan3A_4  : i32 {
      %mul3A_22 = arith.constant 16 : i32
      %mul3A_23 = arith.muli %scan3A_21, %mul3A_22 : i32
      %add3A_24 = arith.addi %mul3A_23, %arg1 : i32
      %mul3A_25 = arith.constant 80 : i32
      %mul3A_26 = arith.muli %add3A_24, %mul3A_25 : i32
      "tpu.region"() ({
        %run_scoped3A = tpu.sem_alloc : memref<!tpu.dma_semaphore, #tpu.memory_space<semaphore_mem>>
        %dma_start3A = arith.constant 0 : i32
        %dma_start3A_27 = tpu.memref_slice %arg4[%mul3A_26, %dma_start3A] : memref<10240x128xf32, #tpu.memory_space<hbm>> -> memref<80x128xf32, #tpu.memory_space<hbm>>
        %dma_start3A_28 = arith.constant 0 : i32
        %dma_start3A_29 = tpu.memref_slice %arg4[%mul3A_26, %dma_start3A_28] : memref<10240x128xf32, #tpu.memory_space<hbm>> -> memref<80x128xf32, #tpu.memory_space<hbm>>
        tpu.enqueue_dma source(%dma_start3A_29 : memref<80x128xf32, #tpu.memory_space<hbm>>) target(%arg8 : memref<80x128xf32, #tpu.memory_space<vmem>>) target_semaphore(%run_scoped3A : memref<!tpu.dma_semaphore, #tpu.memory_space<semaphore_mem>>)
        %dma_wait3A = arith.constant 0 : i32
        %dma_wait3A_30 = tpu.memref_slice %arg4[%mul3A_26, %dma_wait3A] : memref<10240x128xf32, #tpu.memory_space<hbm>> -> memref<80x128xf32, #tpu.memory_space<hbm>>
        %dma_wait3A_31 = arith.constant 0 : i32
        %dma_wait3A_32 = tpu.memref_slice %arg4[%mul3A_26, %dma_wait3A_31] : memref<10240x128xf32, #tpu.memory_space<hbm>> -> memref<80x128xf32, #tpu.memory_space<hbm>>
        tpu.wait_dma2 semaphore(%run_scoped3A : memref<!tpu.dma_semaphore, #tpu.memory_space<semaphore_mem>>) src(%dma_wait3A_32 : memref<80x128xf32, #tpu.memory_space<hbm>>) dst(%arg8 : memref<80x128xf32, #tpu.memory_space<vmem>>)
        tpu.yield
      }) : () -> ()
      "tpu.region"() ({
        %run_scoped3A = tpu.sem_alloc : memref<!tpu.dma_semaphore, #tpu.memory_space<semaphore_mem>>
        %dma_start3A = arith.constant 0 : i32
        %dma_start3A_27 = tpu.memref_slice %arg6[%mul3A_26, %dma_start3A] : memref<10240x128xf32, #tpu.memory_space<vmem_shared>> -> memref<80x128xf32, #tpu.memory_space<vmem_shared>>
        %dma_start3A_28 = arith.constant 0 : i32
        %dma_start3A_29 = tpu.memref_slice %arg6[%mul3A_26, %dma_start3A_28] : memref<10240x128xf32, #tpu.memory_space<vmem_shared>> -> memref<80x128xf32, #tpu.memory_space<vmem_shared>>
        tpu.enqueue_dma source(%arg8 : memref<80x128xf32, #tpu.memory_space<vmem>>) target(%dma_start3A_29 : memref<80x128xf32, #tpu.memory_space<vmem_shared>>) target_semaphore(%run_scoped3A : memref<!tpu.dma_semaphore, #tpu.memory_space<semaphore_mem>>)
        %dma_wait3A = arith.constant 0 : i32
        %dma_wait3A_30 = tpu.memref_slice %arg6[%mul3A_26, %dma_wait3A] : memref<10240x128xf32, #tpu.memory_space<vmem_shared>> -> memref<80x128xf32, #tpu.memory_space<vmem_shared>>
        %dma_wait3A_31 = arith.constant 0 : i32
        %dma_wait3A_32 = tpu.memref_slice %arg6[%mul3A_26, %dma_wait3A_31] : memref<10240x128xf32, #tpu.memory_space<vmem_shared>> -> memref<80x128xf32, #tpu.memory_space<vmem_shared>>
        tpu.wait_dma2 semaphore(%run_scoped3A : memref<!tpu.dma_semaphore, #tpu.memory_space<semaphore_mem>>) src(%arg8 : memref<80x128xf32, #tpu.memory_space<vmem>>) dst(%dma_wait3A_32 : memref<80x128xf32, #tpu.memory_space<vmem_shared>>)
        tpu.yield
      }) : () -> ()
    }
    %scan3A_5 = arith.constant 8 : i32
    %barrier3A = arith.constant 0 : index
    tpu.barrier barrier_id(%barrier3A)
    %mul3A_6 = arith.constant 10000 : i32
    %mul3A_7 = arith.muli %add3A, %mul3A_6 : i32
    %scan3A_8 = arith.constant 0 : i32
    %scan3A_9 = arith.constant 0 : i32
    %scan3A_10 = arith.constant 125 : i32
    %scan3A_11 = arith.addi %scan3A_9, %scan3A_10 : i32
    %scan3A_12 = arith.constant 1 : i32
    scf.for %scan3A_21 = %scan3A_9 to %scan3A_11 step %scan3A_12  : i32 {
      %mul3A_22 = arith.constant 80 : i32
      %mul3A_23 = arith.muli %scan3A_21, %mul3A_22 : i32
      %add3A_24 = arith.addi %mul3A_7, %mul3A_23 : i32
      "tpu.region"() ({
        %run_scoped3A = tpu.sem_alloc : memref<!tpu.dma_semaphore, #tpu.memory_space<semaphore_mem>>
        %dma_start3A = tpu.memref_slice %arg2[%add3A_24] : memref<320000xi32, #tpu.memory_space<hbm>> -> memref<80xi32, #tpu.memory_space<hbm>>
        %dma_start3A_25 = tpu.memref_slice %arg2[%add3A_24] : memref<320000xi32, #tpu.memory_space<hbm>> -> memref<80xi32, #tpu.memory_space<hbm>>
        tpu.enqueue_dma source(%dma_start3A_25 : memref<80xi32, #tpu.memory_space<hbm>>) target(%arg7 : memref<80xi32, #tpu.memory_space<vmem>>) target_semaphore(%run_scoped3A : memref<!tpu.dma_semaphore, #tpu.memory_space<semaphore_mem>>)
        %dma_wait3A = tpu.memref_slice %arg2[%add3A_24] : memref<320000xi32, #tpu.memory_space<hbm>> -> memref<80xi32, #tpu.memory_space<hbm>>
        %dma_wait3A_26 = tpu.memref_slice %arg2[%add3A_24] : memref<320000xi32, #tpu.memory_space<hbm>> -> memref<80xi32, #tpu.memory_space<hbm>>
        tpu.wait_dma2 semaphore(%run_scoped3A : memref<!tpu.dma_semaphore, #tpu.memory_space<semaphore_mem>>) src(%dma_wait3A_26 : memref<80xi32, #tpu.memory_space<hbm>>) dst(%arg7 : memref<80xi32, #tpu.memory_space<vmem>>)
        tpu.yield
      }) : () -> ()
      "tpu.region"() ({
        %run_scoped3A = tpu.sem_alloc : memref<!tpu.dma_semaphore, #tpu.memory_space<semaphore_mem>>
        %dma_start3A = arith.constant 0 : i32
        %dma_start3A_25 = tpu.memref_slice %arg3[%add3A_24, %dma_start3A] : memref<320000x128xf32, #tpu.memory_space<hbm>> -> memref<80x128xf32, #tpu.memory_space<hbm>>
        %dma_start3A_26 = arith.constant 0 : i32
        %dma_start3A_27 = tpu.memref_slice %arg3[%add3A_24, %dma_start3A_26] : memref<320000x128xf32, #tpu.memory_space<hbm>> -> memref<80x128xf32, #tpu.memory_space<hbm>>
        tpu.enqueue_dma source(%dma_start3A_27 : memref<80x128xf32, #tpu.memory_space<hbm>>) target(%arg8 : memref<80x128xf32, #tpu.memory_space<vmem>>) target_semaphore(%run_scoped3A : memref<!tpu.dma_semaphore, #tpu.memory_space<semaphore_mem>>)
        %dma_wait3A = arith.constant 0 : i32
        %dma_wait3A_28 = tpu.memref_slice %arg3[%add3A_24, %dma_wait3A] : memref<320000x128xf32, #tpu.memory_space<hbm>> -> memref<80x128xf32, #tpu.memory_space<hbm>>
        %dma_wait3A_29 = arith.constant 0 : i32
        %dma_wait3A_30 = tpu.memref_slice %arg3[%add3A_24, %dma_wait3A_29] : memref<320000x128xf32, #tpu.memory_space<hbm>> -> memref<80x128xf32, #tpu.memory_space<hbm>>
        tpu.wait_dma2 semaphore(%run_scoped3A : memref<!tpu.dma_semaphore, #tpu.memory_space<semaphore_mem>>) src(%dma_wait3A_30 : memref<80x128xf32, #tpu.memory_space<hbm>>) dst(%arg8 : memref<80x128xf32, #tpu.memory_space<vmem>>)
        tpu.yield
      }) : () -> ()
      "tpu.region"() ({
        %run_scoped3A = tpu.sem_alloc : memref<!tpu.dma_semaphore, #tpu.memory_space<semaphore_mem>>
        %dma_start3A = arith.constant 0 : i32
        %dma_start3A_25 = arith.constant 0 : i32
        %dma_start3A_26 = tpu.memref_slice %arg6[%dma_start3A, %dma_start3A_25] : memref<10240x128xf32, #tpu.memory_space<vmem_shared>> -> memref<10240x128xf32, #tpu.memory_space<vmem_shared>>
        tpu.enqueue_indirect_dma source(%arg8 : memref<80x128xf32, #tpu.memory_space<vmem>>) target(%dma_start3A_26 : memref<10240x128xf32, #tpu.memory_space<vmem_shared>>) offsets(%arg7 : memref<80xi32, #tpu.memory_space<vmem>>) semaphore(%run_scoped3A : memref<!tpu.dma_semaphore, #tpu.memory_space<semaphore_mem>>) {add = true}
        %dma_wait3A = arith.constant 0 : i32
        %dma_wait3A_27 = arith.constant 0 : i32
        %dma_wait3A_28 = tpu.memref_slice %arg6[%dma_wait3A, %dma_wait3A_27] : memref<10240x128xf32, #tpu.memory_space<vmem_shared>> -> memref<10240x128xf32, #tpu.memory_space<vmem_shared>>
        tpu.wait_indirect_dma semaphore(%run_scoped3A : memref<!tpu.dma_semaphore, #tpu.memory_space<semaphore_mem>>) src(%arg8 : memref<80x128xf32, #tpu.memory_space<vmem>>) dst(%dma_wait3A_28 : memref<10240x128xf32, #tpu.memory_space<vmem_shared>>)
        tpu.yield
      }) : () -> ()
    }
    %scan3A_13 = arith.constant 125 : i32
    %barrier3A_14 = arith.constant 0 : index
    tpu.barrier barrier_id(%barrier3A_14)
    %scan3A_15 = arith.constant 0 : i32
    %scan3A_16 = arith.constant 0 : i32
    %scan3A_17 = arith.constant 8 : i32
    %scan3A_18 = arith.addi %scan3A_16, %scan3A_17 : i32
    %scan3A_19 = arith.constant 1 : i32
    scf.for %scan3A_21 = %scan3A_16 to %scan3A_18 step %scan3A_19  : i32 {
      %mul3A_22 = arith.constant 16 : i32
      %mul3A_23 = arith.muli %scan3A_21, %mul3A_22 : i32
      %add3A_24 = arith.addi %mul3A_23, %arg1 : i32
      %mul3A_25 = arith.constant 80 : i32
      %mul3A_26 = arith.muli %add3A_24, %mul3A_25 : i32
      "tpu.region"() ({
        %run_scoped3A = tpu.sem_alloc : memref<!tpu.dma_semaphore, #tpu.memory_space<semaphore_mem>>
        %dma_start3A = arith.constant 0 : i32
        %dma_start3A_30 = tpu.memref_slice %arg6[%mul3A_26, %dma_start3A] : memref<10240x128xf32, #tpu.memory_space<vmem_shared>> -> memref<80x128xf32, #tpu.memory_space<vmem_shared>>
        %dma_start3A_31 = arith.constant 0 : i32
        %dma_start3A_32 = tpu.memref_slice %arg6[%mul3A_26, %dma_start3A_31] : memref<10240x128xf32, #tpu.memory_space<vmem_shared>> -> memref<80x128xf32, #tpu.memory_space<vmem_shared>>
        tpu.enqueue_dma source(%dma_start3A_32 : memref<80x128xf32, #tpu.memory_space<vmem_shared>>) target(%arg8 : memref<80x128xf32, #tpu.memory_space<vmem>>) target_semaphore(%run_scoped3A : memref<!tpu.dma_semaphore, #tpu.memory_space<semaphore_mem>>)
        %dma_wait3A = arith.constant 0 : i32
        %dma_wait3A_33 = tpu.memref_slice %arg6[%mul3A_26, %dma_wait3A] : memref<10240x128xf32, #tpu.memory_space<vmem_shared>> -> memref<80x128xf32, #tpu.memory_space<vmem_shared>>
        %dma_wait3A_34 = arith.constant 0 : i32
        %dma_wait3A_35 = tpu.memref_slice %arg6[%mul3A_26, %dma_wait3A_34] : memref<10240x128xf32, #tpu.memory_space<vmem_shared>> -> memref<80x128xf32, #tpu.memory_space<vmem_shared>>
        tpu.wait_dma2 semaphore(%run_scoped3A : memref<!tpu.dma_semaphore, #tpu.memory_space<semaphore_mem>>) src(%dma_wait3A_35 : memref<80x128xf32, #tpu.memory_space<vmem_shared>>) dst(%arg8 : memref<80x128xf32, #tpu.memory_space<vmem>>)
        tpu.yield
      }) : () -> ()
      %mul3A_27 = arith.constant 10240 : i32
      %mul3A_28 = arith.muli %arg0, %mul3A_27 : i32
      %add3A_29 = arith.addi %mul3A_28, %mul3A_26 : i32
      "tpu.region"() ({
        %run_scoped3A = tpu.sem_alloc : memref<!tpu.dma_semaphore, #tpu.memory_space<semaphore_mem>>
        %dma_start3A = arith.constant 0 : i32
        %dma_start3A_30 = tpu.memref_slice %arg5[%add3A_29, %dma_start3A] : memref<20480x128xf32, #tpu.memory_space<hbm>> -> memref<80x128xf32, #tpu.memory_space<hbm>>
        %dma_start3A_31 = arith.constant 0 : i32
        %dma_start3A_32 = tpu.memref_slice %arg5[%add3A_29, %dma_start3A_31] : memref<20480x128xf32, #tpu.memory_space<hbm>> -> memref<80x128xf32, #tpu.memory_space<hbm>>
        tpu.enqueue_dma source(%arg8 : memref<80x128xf32, #tpu.memory_space<vmem>>) target(%dma_start3A_32 : memref<80x128xf32, #tpu.memory_space<hbm>>) target_semaphore(%run_scoped3A : memref<!tpu.dma_semaphore, #tpu.memory_space<semaphore_mem>>)
        %dma_wait3A = arith.constant 0 : i32
        %dma_wait3A_33 = tpu.memref_slice %arg5[%add3A_29, %dma_wait3A] : memref<20480x128xf32, #tpu.memory_space<hbm>> -> memref<80x128xf32, #tpu.memory_space<hbm>>
        %dma_wait3A_34 = arith.constant 0 : i32
        %dma_wait3A_35 = tpu.memref_slice %arg5[%add3A_29, %dma_wait3A_34] : memref<20480x128xf32, #tpu.memory_space<hbm>> -> memref<80x128xf32, #tpu.memory_space<hbm>>
        tpu.wait_dma2 semaphore(%run_scoped3A : memref<!tpu.dma_semaphore, #tpu.memory_space<semaphore_mem>>) src(%arg8 : memref<80x128xf32, #tpu.memory_space<vmem>>) dst(%dma_wait3A_35 : memref<80x128xf32, #tpu.memory_space<hbm>>)
        tpu.yield
      }) : () -> ()
    }
    %scan3A_20 = arith.constant 8 : i32
    return
  }
}

#map = affine_map<(d0, d1) -> (0)>
#map1 = affine_map<(d0, d1) -> (0, 0)>
module attributes {stable_mosaic.version = 14 : i64} {
  func.func @_k2_body(%arg0: i32, %arg1: i32, %arg2: memref<320000xi32, #tpu.memory_space<hbm>>, %arg3: memref<320000xi32, #tpu.memory_space<hbm>>, %arg4: memref<10000x128xf32, #tpu.memory_space<hbm>>, %arg5: memref<10000x128xf32, #tpu.memory_space<hbm>>, %arg6: memref<10000x256xf32, #tpu.memory_space<hbm>>, %arg7: memref<320000x128xf32, #tpu.memory_space<hbm>>, %arg8: memref<320000x128xf32, #tpu.memory_space<hbm>>, %arg9: memref<320000x256xf32, #tpu.memory_space<hbm>>, %arg10: memref<80xi32, #tpu.memory_space<vmem>>, %arg11: memref<80xi32, #tpu.memory_space<vmem>>, %arg12: memref<80x128xf32, #tpu.memory_space<vmem>>, %arg13: memref<80x128xf32, #tpu.memory_space<vmem>>, %arg14: memref<80x128xf32, #tpu.memory_space<vmem>>, %arg15: memref<80x128xf32, #tpu.memory_space<vmem>>, %arg16: memref<80x256xf32, #tpu.memory_space<vmem>>, %arg17: memref<!tpu.dma_semaphore, #tpu.memory_space<semaphore_mem>>) attributes {dimension_semantics = [#tpu.dimension_semantics<core_parallel>, #tpu.dimension_semantics<subcore_parallel>], iteration_bounds = array<i64: 2, 16>, scalar_prefetch = 0 : i64, scratch_operands = 8 : i64, tpu.core_type = #tpu.core_type<sc_vector_subcore>, window_params = [{transform_indices = #map}, {transform_indices = #map}, {transform_indices = #map1}, {transform_indices = #map1}, {transform_indices = #map1}, {transform_indices = #map1}, {transform_indices = #map1}, {transform_indices = #map1}]} {
    %mul3A = arith.constant 2 : i32
    %mul3A_0 = arith.muli %arg1, %mul3A : i32
    %add3A = arith.addi %mul3A_0, %arg0 : i32
    %mul3A_1 = arith.constant 10000 : i32
    %mul3A_2 = arith.muli %add3A, %mul3A_1 : i32
    %broadcast_in_dim3A = arith.constant 0.000000e+00 : f32
    %broadcast_in_dim3A_3 = vector.broadcast %broadcast_in_dim3A : f32 to vector<16xf32>
    %scan3A = arith.constant 0 : i32
    %scan3A_4 = arith.constant 0 : i32
    %scan3A_5 = arith.constant 80 : i32
    %scan3A_6 = arith.addi %scan3A_4, %scan3A_5 : i32
    %scan3A_7 = arith.constant 1 : i32
    scf.for %scan3A_15 = %scan3A_4 to %scan3A_6 step %scan3A_7  : i32 {
      %swap3A = arith.index_cast %scan3A_15 : i32 to index
      %swap3A_16 = arith.constant 0 : index
      %swap3A_17 = tpu.vector_load %arg14[%swap3A, %swap3A_16] {strides = array<i32>} : memref<80x128xf32, #tpu.memory_space<vmem>>, vector<16xf32>,
      tpu.vector_store %arg14[%swap3A, %swap3A_16], %broadcast_in_dim3A_3 {strides = array<i32>} : memref<80x128xf32, #tpu.memory_space<vmem>>, vector<16xf32>,
      %swap3A_18 = arith.index_cast %scan3A_15 : i32 to index
      %swap3A_19 = arith.constant 16 : index
      %swap3A_20 = tpu.vector_load %arg14[%swap3A_18, %swap3A_19] {strides = array<i32>} : memref<80x128xf32, #tpu.memory_space<vmem>>, vector<16xf32>,
      tpu.vector_store %arg14[%swap3A_18, %swap3A_19], %broadcast_in_dim3A_3 {strides = array<i32>} : memref<80x128xf32, #tpu.memory_space<vmem>>, vector<16xf32>,
      %swap3A_21 = arith.index_cast %scan3A_15 : i32 to index
      %swap3A_22 = arith.constant 32 : index
      %swap3A_23 = tpu.vector_load %arg14[%swap3A_21, %swap3A_22] {strides = array<i32>} : memref<80x128xf32, #tpu.memory_space<vmem>>, vector<16xf32>,
      tpu.vector_store %arg14[%swap3A_21, %swap3A_22], %broadcast_in_dim3A_3 {strides = array<i32>} : memref<80x128xf32, #tpu.memory_space<vmem>>, vector<16xf32>,
      %swap3A_24 = arith.index_cast %scan3A_15 : i32 to index
      %swap3A_25 = arith.constant 48 : index
      %swap3A_26 = tpu.vector_load %arg14[%swap3A_24, %swap3A_25] {strides = array<i32>} : memref<80x128xf32, #tpu.memory_space<vmem>>, vector<16xf32>,
      tpu.vector_store %arg14[%swap3A_24, %swap3A_25], %broadcast_in_dim3A_3 {strides = array<i32>} : memref<80x128xf32, #tpu.memory_space<vmem>>, vector<16xf32>,
      %swap3A_27 = arith.index_cast %scan3A_15 : i32 to index
      %swap3A_28 = arith.constant 64 : index
      %swap3A_29 = tpu.vector_load %arg14[%swap3A_27, %swap3A_28] {strides = array<i32>} : memref<80x128xf32, #tpu.memory_space<vmem>>, vector<16xf32>,
      tpu.vector_store %arg14[%swap3A_27, %swap3A_28], %broadcast_in_dim3A_3 {strides = array<i32>} : memref<80x128xf32, #tpu.memory_space<vmem>>, vector<16xf32>,
      %swap3A_30 = arith.index_cast %scan3A_15 : i32 to index
      %swap3A_31 = arith.constant 80 : index
      %swap3A_32 = tpu.vector_load %arg14[%swap3A_30, %swap3A_31] {strides = array<i32>} : memref<80x128xf32, #tpu.memory_space<vmem>>, vector<16xf32>,
      tpu.vector_store %arg14[%swap3A_30, %swap3A_31], %broadcast_in_dim3A_3 {strides = array<i32>} : memref<80x128xf32, #tpu.memory_space<vmem>>, vector<16xf32>,
      %swap3A_33 = arith.index_cast %scan3A_15 : i32 to index
      %swap3A_34 = arith.constant 96 : index
      %swap3A_35 = tpu.vector_load %arg14[%swap3A_33, %swap3A_34] {strides = array<i32>} : memref<80x128xf32, #tpu.memory_space<vmem>>, vector<16xf32>,
      tpu.vector_store %arg14[%swap3A_33, %swap3A_34], %broadcast_in_dim3A_3 {strides = array<i32>} : memref<80x128xf32, #tpu.memory_space<vmem>>, vector<16xf32>,
      %swap3A_36 = arith.index_cast %scan3A_15 : i32 to index
      %swap3A_37 = arith.constant 112 : index
      %swap3A_38 = tpu.vector_load %arg14[%swap3A_36, %swap3A_37] {strides = array<i32>} : memref<80x128xf32, #tpu.memory_space<vmem>>, vector<16xf32>,
      tpu.vector_store %arg14[%swap3A_36, %swap3A_37], %broadcast_in_dim3A_3 {strides = array<i32>} : memref<80x128xf32, #tpu.memory_space<vmem>>, vector<16xf32>,
    }
    %scan3A_8 = arith.constant 80 : i32
    %scan3A_9 = arith.constant 0 : i32
    %scan3A_10 = arith.constant 0 : i32
    %scan3A_11 = arith.constant 125 : i32
    %scan3A_12 = arith.addi %scan3A_10, %scan3A_11 : i32
    %scan3A_13 = arith.constant 1 : i32
    scf.for %scan3A_15 = %scan3A_10 to %scan3A_12 step %scan3A_13  : i32 {
      %mul3A_16 = arith.constant 80 : i32
      %mul3A_17 = arith.muli %scan3A_15, %mul3A_16 : i32
      %add3A_18 = arith.addi %mul3A_2, %mul3A_17 : i32
      "tpu.region"() ({
        %run_scoped3A = tpu.sem_alloc : memref<!tpu.dma_semaphore, #tpu.memory_space<semaphore_mem>>
        %dma_start3A_47 = tpu.memref_slice %arg2[%add3A_18] : memref<320000xi32, #tpu.memory_space<hbm>> -> memref<80xi32, #tpu.memory_space<hbm>>
        %dma_start3A_48 = tpu.memref_slice %arg2[%add3A_18] : memref<320000xi32, #tpu.memory_space<hbm>> -> memref<80xi32, #tpu.memory_space<hbm>>
        tpu.enqueue_dma source(%dma_start3A_48 : memref<80xi32, #tpu.memory_space<hbm>>) target(%arg10 : memref<80xi32, #tpu.memory_space<vmem>>) target_semaphore(%run_scoped3A : memref<!tpu.dma_semaphore, #tpu.memory_space<semaphore_mem>>)
        %dma_wait3A_49 = tpu.memref_slice %arg2[%add3A_18] : memref<320000xi32, #tpu.memory_space<hbm>> -> memref<80xi32, #tpu.memory_space<hbm>>
        %dma_wait3A_50 = tpu.memref_slice %arg2[%add3A_18] : memref<320000xi32, #tpu.memory_space<hbm>> -> memref<80xi32, #tpu.memory_space<hbm>>
        tpu.wait_dma2 semaphore(%run_scoped3A : memref<!tpu.dma_semaphore, #tpu.memory_space<semaphore_mem>>) src(%dma_wait3A_50 : memref<80xi32, #tpu.memory_space<hbm>>) dst(%arg10 : memref<80xi32, #tpu.memory_space<vmem>>)
        tpu.yield
      }) : () -> ()
      "tpu.region"() ({
        %run_scoped3A = tpu.sem_alloc : memref<!tpu.dma_semaphore, #tpu.memory_space<semaphore_mem>>
        %dma_start3A_47 = tpu.memref_slice %arg3[%add3A_18] : memref<320000xi32, #tpu.memory_space<hbm>> -> memref<80xi32, #tpu.memory_space<hbm>>
        %dma_start3A_48 = tpu.memref_slice %arg3[%add3A_18] : memref<320000xi32, #tpu.memory_space<hbm>> -> memref<80xi32, #tpu.memory_space<hbm>>
        tpu.enqueue_dma source(%dma_start3A_48 : memref<80xi32, #tpu.memory_space<hbm>>) target(%arg11 : memref<80xi32, #tpu.memory_space<vmem>>) target_semaphore(%run_scoped3A : memref<!tpu.dma_semaphore, #tpu.memory_space<semaphore_mem>>)
        %dma_wait3A_49 = tpu.memref_slice %arg3[%add3A_18] : memref<320000xi32, #tpu.memory_space<hbm>> -> memref<80xi32, #tpu.memory_space<hbm>>
        %dma_wait3A_50 = tpu.memref_slice %arg3[%add3A_18] : memref<320000xi32, #tpu.memory_space<hbm>> -> memref<80xi32, #tpu.memory_space<hbm>>
        tpu.wait_dma2 semaphore(%run_scoped3A : memref<!tpu.dma_semaphore, #tpu.memory_space<semaphore_mem>>) src(%dma_wait3A_50 : memref<80xi32, #tpu.memory_space<hbm>>) dst(%arg11 : memref<80xi32, #tpu.memory_space<vmem>>)
        tpu.yield
      }) : () -> ()
      %dma_start3A = arith.constant 0 : i32
      %dma_start3A_19 = arith.constant 0 : i32
      %dma_start3A_20 = tpu.memref_slice %arg4[%dma_start3A, %dma_start3A_19] : memref<10000x128xf32, #tpu.memory_space<hbm>> -> memref<10000x128xf32, #tpu.memory_space<hbm>>
      tpu.enqueue_indirect_dma source(%dma_start3A_20 : memref<10000x128xf32, #tpu.memory_space<hbm>>) target(%arg12 : memref<80x128xf32, #tpu.memory_space<vmem>>) offsets(%arg10 : memref<80xi32, #tpu.memory_space<vmem>>) semaphore(%arg17 : memref<!tpu.dma_semaphore, #tpu.memory_space<semaphore_mem>>)
      %dma_start3A_21 = arith.constant 0 : i32
      %dma_start3A_22 = arith.constant 0 : i32
      %dma_start3A_23 = tpu.memref_slice %arg4[%dma_start3A_21, %dma_start3A_22] : memref<10000x128xf32, #tpu.memory_space<hbm>> -> memref<10000x128xf32, #tpu.memory_space<hbm>>
      tpu.enqueue_indirect_dma source(%dma_start3A_23 : memref<10000x128xf32, #tpu.memory_space<hbm>>) target(%arg13 : memref<80x128xf32, #tpu.memory_space<vmem>>) offsets(%arg11 : memref<80xi32, #tpu.memory_space<vmem>>) semaphore(%arg17 : memref<!tpu.dma_semaphore, #tpu.memory_space<semaphore_mem>>)
      %dma_start3A_24 = arith.constant 0 : i32
      %dma_start3A_25 = arith.constant 0 : i32
      %dma_start3A_26 = tpu.memref_slice %arg5[%dma_start3A_24, %dma_start3A_25] : memref<10000x128xf32, #tpu.memory_space<hbm>> -> memref<10000x128xf32, #tpu.memory_space<hbm>>
      tpu.enqueue_indirect_dma source(%dma_start3A_26 : memref<10000x128xf32, #tpu.memory_space<hbm>>) target(%arg15 : memref<80x128xf32, #tpu.memory_space<vmem>>) offsets(%arg10 : memref<80xi32, #tpu.memory_space<vmem>>) semaphore(%arg17 : memref<!tpu.dma_semaphore, #tpu.memory_space<semaphore_mem>>)
      %dma_start3A_27 = arith.constant 0 : i32
      %dma_start3A_28 = arith.constant 0 : i32
      %dma_start3A_29 = tpu.memref_slice %arg6[%dma_start3A_27, %dma_start3A_28] : memref<10000x256xf32, #tpu.memory_space<hbm>> -> memref<10000x256xf32, #tpu.memory_space<hbm>>
      tpu.enqueue_indirect_dma source(%dma_start3A_29 : memref<10000x256xf32, #tpu.memory_space<hbm>>) target(%arg16 : memref<80x256xf32, #tpu.memory_space<vmem>>) offsets(%arg11 : memref<80xi32, #tpu.memory_space<vmem>>) semaphore(%arg17 : memref<!tpu.dma_semaphore, #tpu.memory_space<semaphore_mem>>)
      %dma_wait3A = arith.constant 0 : i32
      %dma_wait3A_30 = arith.constant 0 : i32
      %dma_wait3A_31 = tpu.memref_slice %arg4[%dma_wait3A, %dma_wait3A_30] : memref<10000x128xf32, #tpu.memory_space<hbm>> -> memref<10000x128xf32, #tpu.memory_space<hbm>>
      tpu.wait_indirect_dma semaphore(%arg17 : memref<!tpu.dma_semaphore, #tpu.memory_space<semaphore_mem>>) src(%dma_wait3A_31 : memref<10000x128xf32, #tpu.memory_space<hbm>>) dst(%arg12 : memref<80x128xf32, #tpu.memory_space<vmem>>)
      %dma_wait3A_32 = arith.constant 0 : i32
      %dma_wait3A_33 = arith.constant 0 : i32
      %dma_wait3A_34 = tpu.memref_slice %arg4[%dma_wait3A_32, %dma_wait3A_33] : memref<10000x128xf32, #tpu.memory_space<hbm>> -> memref<10000x128xf32, #tpu.memory_space<hbm>>
      tpu.wait_indirect_dma semaphore(%arg17 : memref<!tpu.dma_semaphore, #tpu.memory_space<semaphore_mem>>) src(%dma_wait3A_34 : memref<10000x128xf32, #tpu.memory_space<hbm>>) dst(%arg13 : memref<80x128xf32, #tpu.memory_space<vmem>>)
      %dma_wait3A_35 = arith.constant 0 : i32
      %dma_wait3A_36 = arith.constant 0 : i32
      %dma_wait3A_37 = tpu.memref_slice %arg5[%dma_wait3A_35, %dma_wait3A_36] : memref<10000x128xf32, #tpu.memory_space<hbm>> -> memref<10000x128xf32, #tpu.memory_space<hbm>>
      tpu.wait_indirect_dma semaphore(%arg17 : memref<!tpu.dma_semaphore, #tpu.memory_space<semaphore_mem>>) src(%dma_wait3A_37 : memref<10000x128xf32, #tpu.memory_space<hbm>>) dst(%arg15 : memref<80x128xf32, #tpu.memory_space<vmem>>)
      %dma_wait3A_38 = arith.constant 0 : i32
      %dma_wait3A_39 = arith.constant 0 : i32
      %dma_wait3A_40 = tpu.memref_slice %arg6[%dma_wait3A_38, %dma_wait3A_39] : memref<10000x256xf32, #tpu.memory_space<hbm>> -> memref<10000x256xf32, #tpu.memory_space<hbm>>
      tpu.wait_indirect_dma semaphore(%arg17 : memref<!tpu.dma_semaphore, #tpu.memory_space<semaphore_mem>>) src(%dma_wait3A_40 : memref<10000x256xf32, #tpu.memory_space<hbm>>) dst(%arg16 : memref<80x256xf32, #tpu.memory_space<vmem>>)
      %scan3A_41 = arith.constant 0 : i32
      %scan3A_42 = arith.constant 0 : i32
      %scan3A_43 = arith.constant 80 : i32
      %scan3A_44 = arith.addi %scan3A_42, %scan3A_43 : i32
      %scan3A_45 = arith.constant 1 : i32
      scf.for %scan3A_47 = %scan3A_42 to %scan3A_44 step %scan3A_45  : i32 {
        %get3A = arith.index_cast %scan3A_47 : i32 to index
        %get3A_48 = arith.constant 0 : index
        %get3A_49 = tpu.vector_load %arg12[%get3A, %get3A_48] {strides = array<i32>} : memref<80x128xf32, #tpu.memory_space<vmem>>, vector<16xf32>,
        %get3A_50 = arith.index_cast %scan3A_47 : i32 to index
        %get3A_51 = arith.constant 0 : index
        %get3A_52 = tpu.vector_load %arg13[%get3A_50, %get3A_51] {strides = array<i32>} : memref<80x128xf32, #tpu.memory_space<vmem>>, vector<16xf32>,
        %sub3A = arith.subf %get3A_49, %get3A_52 : vector<16xf32>
        %swap3A = arith.index_cast %scan3A_47 : i32 to index
        %swap3A_53 = arith.constant 0 : index
        %swap3A_54 = tpu.vector_load %arg14[%swap3A, %swap3A_53] {strides = array<i32>} : memref<80x128xf32, #tpu.memory_space<vmem>>, vector<16xf32>,
        tpu.vector_store %arg14[%swap3A, %swap3A_53], %sub3A {strides = array<i32>} : memref<80x128xf32, #tpu.memory_space<vmem>>, vector<16xf32>,
      }
      %scan3A_46 = arith.constant 80 : i32
      "tpu.region"() ({
        %run_scoped3A = tpu.sem_alloc : memref<!tpu.dma_semaphore, #tpu.memory_space<semaphore_mem>>
        %dma_start3A_47 = arith.constant 0 : i32
        %dma_start3A_48 = tpu.memref_slice %arg7[%add3A_18, %dma_start3A_47] : memref<320000x128xf32, #tpu.memory_space<hbm>> -> memref<80x128xf32, #tpu.memory_space<hbm>>
        %dma_start3A_49 = arith.constant 0 : i32
        %dma_start3A_50 = tpu.memref_slice %arg7[%add3A_18, %dma_start3A_49] : memref<320000x128xf32, #tpu.memory_space<hbm>> -> memref<80x128xf32, #tpu.memory_space<hbm>>
        tpu.enqueue_dma source(%arg14 : memref<80x128xf32, #tpu.memory_space<vmem>>) target(%dma_start3A_50 : memref<80x128xf32, #tpu.memory_space<hbm>>) target_semaphore(%run_scoped3A : memref<!tpu.dma_semaphore, #tpu.memory_space<semaphore_mem>>)
        %dma_wait3A_51 = arith.constant 0 : i32
        %dma_wait3A_52 = tpu.memref_slice %arg7[%add3A_18, %dma_wait3A_51] : memref<320000x128xf32, #tpu.memory_space<hbm>> -> memref<80x128xf32, #tpu.memory_space<hbm>>
        %dma_wait3A_53 = arith.constant 0 : i32
        %dma_wait3A_54 = tpu.memref_slice %arg7[%add3A_18, %dma_wait3A_53] : memref<320000x128xf32, #tpu.memory_space<hbm>> -> memref<80x128xf32, #tpu.memory_space<hbm>>
        tpu.wait_dma2 semaphore(%run_scoped3A : memref<!tpu.dma_semaphore, #tpu.memory_space<semaphore_mem>>) src(%arg14 : memref<80x128xf32, #tpu.memory_space<vmem>>) dst(%dma_wait3A_54 : memref<80x128xf32, #tpu.memory_space<hbm>>)
        tpu.yield
      }) : () -> ()
      "tpu.region"() ({
        %run_scoped3A = tpu.sem_alloc : memref<!tpu.dma_semaphore, #tpu.memory_space<semaphore_mem>>
        %dma_start3A_47 = arith.constant 0 : i32
        %dma_start3A_48 = tpu.memref_slice %arg8[%add3A_18, %dma_start3A_47] : memref<320000x128xf32, #tpu.memory_space<hbm>> -> memref<80x128xf32, #tpu.memory_space<hbm>>
        %dma_start3A_49 = arith.constant 0 : i32
        %dma_start3A_50 = tpu.memref_slice %arg8[%add3A_18, %dma_start3A_49] : memref<320000x128xf32, #tpu.memory_space<hbm>> -> memref<80x128xf32, #tpu.memory_space<hbm>>
        tpu.enqueue_dma source(%arg15 : memref<80x128xf32, #tpu.memory_space<vmem>>) target(%dma_start3A_50 : memref<80x128xf32, #tpu.memory_space<hbm>>) target_semaphore(%run_scoped3A : memref<!tpu.dma_semaphore, #tpu.memory_space<semaphore_mem>>)
        %dma_wait3A_51 = arith.constant 0 : i32
        %dma_wait3A_52 = tpu.memref_slice %arg8[%add3A_18, %dma_wait3A_51] : memref<320000x128xf32, #tpu.memory_space<hbm>> -> memref<80x128xf32, #tpu.memory_space<hbm>>
        %dma_wait3A_53 = arith.constant 0 : i32
        %dma_wait3A_54 = tpu.memref_slice %arg8[%add3A_18, %dma_wait3A_53] : memref<320000x128xf32, #tpu.memory_space<hbm>> -> memref<80x128xf32, #tpu.memory_space<hbm>>
        tpu.wait_dma2 semaphore(%run_scoped3A : memref<!tpu.dma_semaphore, #tpu.memory_space<semaphore_mem>>) src(%arg15 : memref<80x128xf32, #tpu.memory_space<vmem>>) dst(%dma_wait3A_54 : memref<80x128xf32, #tpu.memory_space<hbm>>)
        tpu.yield
      }) : () -> ()
      "tpu.region"() ({
        %run_scoped3A = tpu.sem_alloc : memref<!tpu.dma_semaphore, #tpu.memory_space<semaphore_mem>>
        %dma_start3A_47 = arith.constant 0 : i32
        %dma_start3A_48 = tpu.memref_slice %arg9[%add3A_18, %dma_start3A_47] : memref<320000x256xf32, #tpu.memory_space<hbm>> -> memref<80x256xf32, #tpu.memory_space<hbm>>
        %dma_start3A_49 = arith.constant 0 : i32
        %dma_start3A_50 = tpu.memref_slice %arg9[%add3A_18, %dma_start3A_49] : memref<320000x256xf32, #tpu.memory_space<hbm>> -> memref<80x256xf32, #tpu.memory_space<hbm>>
        tpu.enqueue_dma source(%arg16 : memref<80x256xf32, #tpu.memory_space<vmem>>) target(%dma_start3A_50 : memref<80x256xf32, #tpu.memory_space<hbm>>) target_semaphore(%run_scoped3A : memref<!tpu.dma_semaphore, #tpu.memory_space<semaphore_mem>>)
        %dma_wait3A_51 = arith.constant 0 : i32
        %dma_wait3A_52 = tpu.memref_slice %arg9[%add3A_18, %dma_wait3A_51] : memref<320000x256xf32, #tpu.memory_space<hbm>> -> memref<80x256xf32, #tpu.memory_space<hbm>>
        %dma_wait3A_53 = arith.constant 0 : i32
        %dma_wait3A_54 = tpu.memref_slice %arg9[%add3A_18, %dma_wait3A_53] : memref<320000x256xf32, #tpu.memory_space<hbm>> -> memref<80x256xf32, #tpu.memory_space<hbm>>
        tpu.wait_dma2 semaphore(%run_scoped3A : memref<!tpu.dma_semaphore, #tpu.memory_space<semaphore_mem>>) src(%arg16 : memref<80x256xf32, #tpu.memory_space<vmem>>) dst(%dma_wait3A_54 : memref<80x256xf32, #tpu.memory_space<hbm>>)
        tpu.yield
      }) : () -> ()
    }
    %scan3A_14 = arith.constant 125 : i32
    return
  }
}

#map = affine_map<(d0, d1) -> (0)>
#map1 = affine_map<(d0, d1) -> (0, 0)>
module attributes {stable_mosaic.version = 14 : i64} {
  func.func @_k5_body(%arg0: i32, %arg1: i32, %arg2: memref<320000xi32, #tpu.memory_space<hbm>>, %arg3: memref<320000x128xf32, #tpu.memory_space<hbm>>, %arg4: memref<10240x128xf32, #tpu.memory_space<hbm>>, %arg5: memref<20480x128xf32, #tpu.memory_space<hbm>>, %arg6: memref<10240x128xf32, #tpu.memory_space<vmem_shared>>, %arg7: memref<80xi32, #tpu.memory_space<vmem>>, %arg8: memref<80x128xf32, #tpu.memory_space<vmem>>) attributes {dimension_semantics = [#tpu.dimension_semantics<core_parallel>, #tpu.dimension_semantics<subcore_parallel>], iteration_bounds = array<i64: 2, 16>, scalar_prefetch = 0 : i64, scratch_operands = 3 : i64, tpu.core_type = #tpu.core_type<sc_vector_subcore>, window_params = [{transform_indices = #map}, {transform_indices = #map1}, {transform_indices = #map1}, {transform_indices = #map1}]} {
    %mul3A = arith.constant 2 : i32
    %mul3A_0 = arith.muli %arg1, %mul3A : i32
    %add3A = arith.addi %mul3A_0, %arg0 : i32
    %scan3A = arith.constant 0 : i32
    %scan3A_1 = arith.constant 0 : i32
    %scan3A_2 = arith.constant 8 : i32
    %scan3A_3 = arith.addi %scan3A_1, %scan3A_2 : i32
    %scan3A_4 = arith.constant 1 : i32
    scf.for %scan3A_21 = %scan3A_1 to %scan3A_3 step %scan3A_4  : i32 {
      %mul3A_22 = arith.constant 16 : i32
      %mul3A_23 = arith.muli %scan3A_21, %mul3A_22 : i32
      %add3A_24 = arith.addi %mul3A_23, %arg1 : i32
      %mul3A_25 = arith.constant 80 : i32
      %mul3A_26 = arith.muli %add3A_24, %mul3A_25 : i32
      "tpu.region"() ({
        %run_scoped3A = tpu.sem_alloc : memref<!tpu.dma_semaphore, #tpu.memory_space<semaphore_mem>>
        %dma_start3A = arith.constant 0 : i32
        %dma_start3A_27 = tpu.memref_slice %arg4[%mul3A_26, %dma_start3A] : memref<10240x128xf32, #tpu.memory_space<hbm>> -> memref<80x128xf32, #tpu.memory_space<hbm>>
        %dma_start3A_28 = arith.constant 0 : i32
        %dma_start3A_29 = tpu.memref_slice %arg4[%mul3A_26, %dma_start3A_28] : memref<10240x128xf32, #tpu.memory_space<hbm>> -> memref<80x128xf32, #tpu.memory_space<hbm>>
        tpu.enqueue_dma source(%dma_start3A_29 : memref<80x128xf32, #tpu.memory_space<hbm>>) target(%arg8 : memref<80x128xf32, #tpu.memory_space<vmem>>) target_semaphore(%run_scoped3A : memref<!tpu.dma_semaphore, #tpu.memory_space<semaphore_mem>>)
        %dma_wait3A = arith.constant 0 : i32
        %dma_wait3A_30 = tpu.memref_slice %arg4[%mul3A_26, %dma_wait3A] : memref<10240x128xf32, #tpu.memory_space<hbm>> -> memref<80x128xf32, #tpu.memory_space<hbm>>
        %dma_wait3A_31 = arith.constant 0 : i32
        %dma_wait3A_32 = tpu.memref_slice %arg4[%mul3A_26, %dma_wait3A_31] : memref<10240x128xf32, #tpu.memory_space<hbm>> -> memref<80x128xf32, #tpu.memory_space<hbm>>
        tpu.wait_dma2 semaphore(%run_scoped3A : memref<!tpu.dma_semaphore, #tpu.memory_space<semaphore_mem>>) src(%dma_wait3A_32 : memref<80x128xf32, #tpu.memory_space<hbm>>) dst(%arg8 : memref<80x128xf32, #tpu.memory_space<vmem>>)
        tpu.yield
      }) : () -> ()
      "tpu.region"() ({
        %run_scoped3A = tpu.sem_alloc : memref<!tpu.dma_semaphore, #tpu.memory_space<semaphore_mem>>
        %dma_start3A = arith.constant 0 : i32
        %dma_start3A_27 = tpu.memref_slice %arg6[%mul3A_26, %dma_start3A] : memref<10240x128xf32, #tpu.memory_space<vmem_shared>> -> memref<80x128xf32, #tpu.memory_space<vmem_shared>>
        %dma_start3A_28 = arith.constant 0 : i32
        %dma_start3A_29 = tpu.memref_slice %arg6[%mul3A_26, %dma_start3A_28] : memref<10240x128xf32, #tpu.memory_space<vmem_shared>> -> memref<80x128xf32, #tpu.memory_space<vmem_shared>>
        tpu.enqueue_dma source(%arg8 : memref<80x128xf32, #tpu.memory_space<vmem>>) target(%dma_start3A_29 : memref<80x128xf32, #tpu.memory_space<vmem_shared>>) target_semaphore(%run_scoped3A : memref<!tpu.dma_semaphore, #tpu.memory_space<semaphore_mem>>)
        %dma_wait3A = arith.constant 0 : i32
        %dma_wait3A_30 = tpu.memref_slice %arg6[%mul3A_26, %dma_wait3A] : memref<10240x128xf32, #tpu.memory_space<vmem_shared>> -> memref<80x128xf32, #tpu.memory_space<vmem_shared>>
        %dma_wait3A_31 = arith.constant 0 : i32
        %dma_wait3A_32 = tpu.memref_slice %arg6[%mul3A_26, %dma_wait3A_31] : memref<10240x128xf32, #tpu.memory_space<vmem_shared>> -> memref<80x128xf32, #tpu.memory_space<vmem_shared>>
        tpu.wait_dma2 semaphore(%run_scoped3A : memref<!tpu.dma_semaphore, #tpu.memory_space<semaphore_mem>>) src(%arg8 : memref<80x128xf32, #tpu.memory_space<vmem>>) dst(%dma_wait3A_32 : memref<80x128xf32, #tpu.memory_space<vmem_shared>>)
        tpu.yield
      }) : () -> ()
    }
    %scan3A_5 = arith.constant 8 : i32
    %barrier3A = arith.constant 0 : index
    tpu.barrier barrier_id(%barrier3A)
    %mul3A_6 = arith.constant 10000 : i32
    %mul3A_7 = arith.muli %add3A, %mul3A_6 : i32
    %scan3A_8 = arith.constant 0 : i32
    %scan3A_9 = arith.constant 0 : i32
    %scan3A_10 = arith.constant 125 : i32
    %scan3A_11 = arith.addi %scan3A_9, %scan3A_10 : i32
    %scan3A_12 = arith.constant 1 : i32
    scf.for %scan3A_21 = %scan3A_9 to %scan3A_11 step %scan3A_12  : i32 {
      %mul3A_22 = arith.constant 80 : i32
      %mul3A_23 = arith.muli %scan3A_21, %mul3A_22 : i32
      %add3A_24 = arith.addi %mul3A_7, %mul3A_23 : i32
      "tpu.region"() ({
        %run_scoped3A = tpu.sem_alloc : memref<!tpu.dma_semaphore, #tpu.memory_space<semaphore_mem>>
        %dma_start3A = tpu.memref_slice %arg2[%add3A_24] : memref<320000xi32, #tpu.memory_space<hbm>> -> memref<80xi32, #tpu.memory_space<hbm>>
        %dma_start3A_25 = tpu.memref_slice %arg2[%add3A_24] : memref<320000xi32, #tpu.memory_space<hbm>> -> memref<80xi32, #tpu.memory_space<hbm>>
        tpu.enqueue_dma source(%dma_start3A_25 : memref<80xi32, #tpu.memory_space<hbm>>) target(%arg7 : memref<80xi32, #tpu.memory_space<vmem>>) target_semaphore(%run_scoped3A : memref<!tpu.dma_semaphore, #tpu.memory_space<semaphore_mem>>)
        %dma_wait3A = tpu.memref_slice %arg2[%add3A_24] : memref<320000xi32, #tpu.memory_space<hbm>> -> memref<80xi32, #tpu.memory_space<hbm>>
        %dma_wait3A_26 = tpu.memref_slice %arg2[%add3A_24] : memref<320000xi32, #tpu.memory_space<hbm>> -> memref<80xi32, #tpu.memory_space<hbm>>
        tpu.wait_dma2 semaphore(%run_scoped3A : memref<!tpu.dma_semaphore, #tpu.memory_space<semaphore_mem>>) src(%dma_wait3A_26 : memref<80xi32, #tpu.memory_space<hbm>>) dst(%arg7 : memref<80xi32, #tpu.memory_space<vmem>>)
        tpu.yield
      }) : () -> ()
      "tpu.region"() ({
        %run_scoped3A = tpu.sem_alloc : memref<!tpu.dma_semaphore, #tpu.memory_space<semaphore_mem>>
        %dma_start3A = arith.constant 0 : i32
        %dma_start3A_25 = tpu.memref_slice %arg3[%add3A_24, %dma_start3A] : memref<320000x128xf32, #tpu.memory_space<hbm>> -> memref<80x128xf32, #tpu.memory_space<hbm>>
        %dma_start3A_26 = arith.constant 0 : i32
        %dma_start3A_27 = tpu.memref_slice %arg3[%add3A_24, %dma_start3A_26] : memref<320000x128xf32, #tpu.memory_space<hbm>> -> memref<80x128xf32, #tpu.memory_space<hbm>>
        tpu.enqueue_dma source(%dma_start3A_27 : memref<80x128xf32, #tpu.memory_space<hbm>>) target(%arg8 : memref<80x128xf32, #tpu.memory_space<vmem>>) target_semaphore(%run_scoped3A : memref<!tpu.dma_semaphore, #tpu.memory_space<semaphore_mem>>)
        %dma_wait3A = arith.constant 0 : i32
        %dma_wait3A_28 = tpu.memref_slice %arg3[%add3A_24, %dma_wait3A] : memref<320000x128xf32, #tpu.memory_space<hbm>> -> memref<80x128xf32, #tpu.memory_space<hbm>>
        %dma_wait3A_29 = arith.constant 0 : i32
        %dma_wait3A_30 = tpu.memref_slice %arg3[%add3A_24, %dma_wait3A_29] : memref<320000x128xf32, #tpu.memory_space<hbm>> -> memref<80x128xf32, #tpu.memory_space<hbm>>
        tpu.wait_dma2 semaphore(%run_scoped3A : memref<!tpu.dma_semaphore, #tpu.memory_space<semaphore_mem>>) src(%dma_wait3A_30 : memref<80x128xf32, #tpu.memory_space<hbm>>) dst(%arg8 : memref<80x128xf32, #tpu.memory_space<vmem>>)
        tpu.yield
      }) : () -> ()
      "tpu.region"() ({
        %run_scoped3A = tpu.sem_alloc : memref<!tpu.dma_semaphore, #tpu.memory_space<semaphore_mem>>
        %dma_start3A = arith.constant 0 : i32
        %dma_start3A_25 = arith.constant 0 : i32
        %dma_start3A_26 = tpu.memref_slice %arg6[%dma_start3A, %dma_start3A_25] : memref<10240x128xf32, #tpu.memory_space<vmem_shared>> -> memref<10240x128xf32, #tpu.memory_space<vmem_shared>>
        tpu.enqueue_indirect_dma source(%arg8 : memref<80x128xf32, #tpu.memory_space<vmem>>) target(%dma_start3A_26 : memref<10240x128xf32, #tpu.memory_space<vmem_shared>>) offsets(%arg7 : memref<80xi32, #tpu.memory_space<vmem>>) semaphore(%run_scoped3A : memref<!tpu.dma_semaphore, #tpu.memory_space<semaphore_mem>>) {add = true}
        %dma_wait3A = arith.constant 0 : i32
        %dma_wait3A_27 = arith.constant 0 : i32
        %dma_wait3A_28 = tpu.memref_slice %arg6[%dma_wait3A, %dma_wait3A_27] : memref<10240x128xf32, #tpu.memory_space<vmem_shared>> -> memref<10240x128xf32, #tpu.memory_space<vmem_shared>>
        tpu.wait_indirect_dma semaphore(%run_scoped3A : memref<!tpu.dma_semaphore, #tpu.memory_space<semaphore_mem>>) src(%arg8 : memref<80x128xf32, #tpu.memory_space<vmem>>) dst(%dma_wait3A_28 : memref<10240x128xf32, #tpu.memory_space<vmem_shared>>)
        tpu.yield
      }) : () -> ()
    }
    %scan3A_13 = arith.constant 125 : i32
    %barrier3A_14 = arith.constant 0 : index
    tpu.barrier barrier_id(%barrier3A_14)
    %scan3A_15 = arith.constant 0 : i32
    %scan3A_16 = arith.constant 0 : i32
    %scan3A_17 = arith.constant 8 : i32
    %scan3A_18 = arith.addi %scan3A_16, %scan3A_17 : i32
    %scan3A_19 = arith.constant 1 : i32
    scf.for %scan3A_21 = %scan3A_16 to %scan3A_18 step %scan3A_19  : i32 {
      %mul3A_22 = arith.constant 16 : i32
      %mul3A_23 = arith.muli %scan3A_21, %mul3A_22 : i32
      %add3A_24 = arith.addi %mul3A_23, %arg1 : i32
      %mul3A_25 = arith.constant 80 : i32
      %mul3A_26 = arith.muli %add3A_24, %mul3A_25 : i32
      "tpu.region"() ({
        %run_scoped3A = tpu.sem_alloc : memref<!tpu.dma_semaphore, #tpu.memory_space<semaphore_mem>>
        %dma_start3A = arith.constant 0 : i32
        %dma_start3A_30 = tpu.memref_slice %arg6[%mul3A_26, %dma_start3A] : memref<10240x128xf32, #tpu.memory_space<vmem_shared>> -> memref<80x128xf32, #tpu.memory_space<vmem_shared>>
        %dma_start3A_31 = arith.constant 0 : i32
        %dma_start3A_32 = tpu.memref_slice %arg6[%mul3A_26, %dma_start3A_31] : memref<10240x128xf32, #tpu.memory_space<vmem_shared>> -> memref<80x128xf32, #tpu.memory_space<vmem_shared>>
        tpu.enqueue_dma source(%dma_start3A_32 : memref<80x128xf32, #tpu.memory_space<vmem_shared>>) target(%arg8 : memref<80x128xf32, #tpu.memory_space<vmem>>) target_semaphore(%run_scoped3A : memref<!tpu.dma_semaphore, #tpu.memory_space<semaphore_mem>>)
        %dma_wait3A = arith.constant 0 : i32
        %dma_wait3A_33 = tpu.memref_slice %arg6[%mul3A_26, %dma_wait3A] : memref<10240x128xf32, #tpu.memory_space<vmem_shared>> -> memref<80x128xf32, #tpu.memory_space<vmem_shared>>
        %dma_wait3A_34 = arith.constant 0 : i32
        %dma_wait3A_35 = tpu.memref_slice %arg6[%mul3A_26, %dma_wait3A_34] : memref<10240x128xf32, #tpu.memory_space<vmem_shared>> -> memref<80x128xf32, #tpu.memory_space<vmem_shared>>
        tpu.wait_dma2 semaphore(%run_scoped3A : memref<!tpu.dma_semaphore, #tpu.memory_space<semaphore_mem>>) src(%dma_wait3A_35 : memref<80x128xf32, #tpu.memory_space<vmem_shared>>) dst(%arg8 : memref<80x128xf32, #tpu.memory_space<vmem>>)
        tpu.yield
      }) : () -> ()
      %mul3A_27 = arith.constant 10240 : i32
      %mul3A_28 = arith.muli %arg0, %mul3A_27 : i32
      %add3A_29 = arith.addi %mul3A_28, %mul3A_26 : i32
      "tpu.region"() ({
        %run_scoped3A = tpu.sem_alloc : memref<!tpu.dma_semaphore, #tpu.memory_space<semaphore_mem>>
        %dma_start3A = arith.constant 0 : i32
        %dma_start3A_30 = tpu.memref_slice %arg5[%add3A_29, %dma_start3A] : memref<20480x128xf32, #tpu.memory_space<hbm>> -> memref<80x128xf32, #tpu.memory_space<hbm>>
        %dma_start3A_31 = arith.constant 0 : i32
        %dma_start3A_32 = tpu.memref_slice %arg5[%add3A_29, %dma_start3A_31] : memref<20480x128xf32, #tpu.memory_space<hbm>> -> memref<80x128xf32, #tpu.memory_space<hbm>>
        tpu.enqueue_dma source(%arg8 : memref<80x128xf32, #tpu.memory_space<vmem>>) target(%dma_start3A_32 : memref<80x128xf32, #tpu.memory_space<hbm>>) target_semaphore(%run_scoped3A : memref<!tpu.dma_semaphore, #tpu.memory_space<semaphore_mem>>)
        %dma_wait3A = arith.constant 0 : i32
        %dma_wait3A_33 = tpu.memref_slice %arg5[%add3A_29, %dma_wait3A] : memref<20480x128xf32, #tpu.memory_space<hbm>> -> memref<80x128xf32, #tpu.memory_space<hbm>>
        %dma_wait3A_34 = arith.constant 0 : i32
        %dma_wait3A_35 = tpu.memref_slice %arg5[%add3A_29, %dma_wait3A_34] : memref<20480x128xf32, #tpu.memory_space<hbm>> -> memref<80x128xf32, #tpu.memory_space<hbm>>
        tpu.wait_dma2 semaphore(%run_scoped3A : memref<!tpu.dma_semaphore, #tpu.memory_space<semaphore_mem>>) src(%arg8 : memref<80x128xf32, #tpu.memory_space<vmem>>) dst(%dma_wait3A_35 : memref<80x128xf32, #tpu.memory_space<hbm>>)
        tpu.yield
      }) : () -> ()
    }
    %scan3A_20 = arith.constant 8 : i32
    return
  }
}

#map = affine_map<(d0, d1) -> (0)>
#map1 = affine_map<(d0, d1) -> (0, 0)>
module attributes {stable_mosaic.version = 14 : i64} {
  func.func @_k7_body(%arg0: i32, %arg1: i32, %arg2: memref<320000xi32, #tpu.memory_space<hbm>>, %arg3: memref<320000x128xf32, #tpu.memory_space<hbm>>, %arg4: memref<10000xf32, #tpu.memory_space<hbm>>, %arg5: memref<320000xf32, #tpu.memory_space<hbm>>, %arg6: memref<10000xf32, #tpu.memory_space<vmem>>, %arg7: memref<400xi32, #tpu.memory_space<vmem>>, %arg8: memref<400x128xf32, #tpu.memory_space<vmem>>, %arg9: memref<400xf32, #tpu.memory_space<vmem>>) attributes {dimension_semantics = [#tpu.dimension_semantics<core_parallel>, #tpu.dimension_semantics<subcore_parallel>], iteration_bounds = array<i64: 2, 16>, scalar_prefetch = 0 : i64, scratch_operands = 4 : i64, tpu.core_type = #tpu.core_type<sc_vector_subcore>, window_params = [{transform_indices = #map}, {transform_indices = #map1}, {transform_indices = #map}, {transform_indices = #map}]} {
    %mul3A = arith.constant 2 : i32
    %mul3A_0 = arith.muli %arg1, %mul3A : i32
    %add3A = arith.addi %mul3A_0, %arg0 : i32
    %mul3A_1 = arith.constant 10000 : i32
    %mul3A_2 = arith.muli %add3A, %mul3A_1 : i32
    %broadcast_in_dim3A = arith.constant 15 : i32
    %broadcast_in_dim3A_3 = vector.broadcast %broadcast_in_dim3A : i32 to vector<16xi32>
    "tpu.region"() ({
      %run_scoped3A = tpu.sem_alloc : memref<!tpu.dma_semaphore, #tpu.memory_space<semaphore_mem>>
      tpu.enqueue_dma source(%arg4 : memref<10000xf32, #tpu.memory_space<hbm>>) target(%arg6 : memref<10000xf32, #tpu.memory_space<vmem>>) target_semaphore(%run_scoped3A : memref<!tpu.dma_semaphore, #tpu.memory_space<semaphore_mem>>)
      tpu.wait_dma2 semaphore(%run_scoped3A : memref<!tpu.dma_semaphore, #tpu.memory_space<semaphore_mem>>) src(%arg4 : memref<10000xf32, #tpu.memory_space<hbm>>) dst(%arg6 : memref<10000xf32, #tpu.memory_space<vmem>>)
      tpu.yield
    }) : () -> ()
    %scan3A = arith.constant 0 : i32
    %scan3A_4 = arith.constant 0 : i32
    %scan3A_5 = arith.constant 25 : i32
    %scan3A_6 = arith.addi %scan3A_4, %scan3A_5 : i32
    %scan3A_7 = arith.constant 1 : i32
    scf.for %scan3A_9 = %scan3A_4 to %scan3A_6 step %scan3A_7  : i32 {
      %mul3A_10 = arith.constant 400 : i32
      %mul3A_11 = arith.muli %scan3A_9, %mul3A_10 : i32
      %add3A_12 = arith.addi %mul3A_2, %mul3A_11 : i32
      "tpu.region"() ({
        %run_scoped3A = tpu.sem_alloc : memref<!tpu.dma_semaphore, #tpu.memory_space<semaphore_mem>>
        %dma_start3A = tpu.memref_slice %arg2[%add3A_12] : memref<320000xi32, #tpu.memory_space<hbm>> -> memref<400xi32, #tpu.memory_space<hbm>>
        %dma_start3A_19 = tpu.memref_slice %arg2[%add3A_12] : memref<320000xi32, #tpu.memory_space<hbm>> -> memref<400xi32, #tpu.memory_space<hbm>>
        tpu.enqueue_dma source(%dma_start3A_19 : memref<400xi32, #tpu.memory_space<hbm>>) target(%arg7 : memref<400xi32, #tpu.memory_space<vmem>>) target_semaphore(%run_scoped3A : memref<!tpu.dma_semaphore, #tpu.memory_space<semaphore_mem>>)
        %dma_wait3A = tpu.memref_slice %arg2[%add3A_12] : memref<320000xi32, #tpu.memory_space<hbm>> -> memref<400xi32, #tpu.memory_space<hbm>>
        %dma_wait3A_20 = tpu.memref_slice %arg2[%add3A_12] : memref<320000xi32, #tpu.memory_space<hbm>> -> memref<400xi32, #tpu.memory_space<hbm>>
        tpu.wait_dma2 semaphore(%run_scoped3A : memref<!tpu.dma_semaphore, #tpu.memory_space<semaphore_mem>>) src(%dma_wait3A_20 : memref<400xi32, #tpu.memory_space<hbm>>) dst(%arg7 : memref<400xi32, #tpu.memory_space<vmem>>)
        tpu.yield
      }) : () -> ()
      "tpu.region"() ({
        %run_scoped3A = tpu.sem_alloc : memref<!tpu.dma_semaphore, #tpu.memory_space<semaphore_mem>>
        %dma_start3A = arith.constant 0 : i32
        %dma_start3A_19 = tpu.memref_slice %arg3[%add3A_12, %dma_start3A] : memref<320000x128xf32, #tpu.memory_space<hbm>> -> memref<400x128xf32, #tpu.memory_space<hbm>>
        %dma_start3A_20 = arith.constant 0 : i32
        %dma_start3A_21 = tpu.memref_slice %arg3[%add3A_12, %dma_start3A_20] : memref<320000x128xf32, #tpu.memory_space<hbm>> -> memref<400x128xf32, #tpu.memory_space<hbm>>
        tpu.enqueue_dma source(%dma_start3A_21 : memref<400x128xf32, #tpu.memory_space<hbm>>) target(%arg8 : memref<400x128xf32, #tpu.memory_space<vmem>>) target_semaphore(%run_scoped3A : memref<!tpu.dma_semaphore, #tpu.memory_space<semaphore_mem>>)
        %dma_wait3A = arith.constant 0 : i32
        %dma_wait3A_22 = tpu.memref_slice %arg3[%add3A_12, %dma_wait3A] : memref<320000x128xf32, #tpu.memory_space<hbm>> -> memref<400x128xf32, #tpu.memory_space<hbm>>
        %dma_wait3A_23 = arith.constant 0 : i32
        %dma_wait3A_24 = tpu.memref_slice %arg3[%add3A_12, %dma_wait3A_23] : memref<320000x128xf32, #tpu.memory_space<hbm>> -> memref<400x128xf32, #tpu.memory_space<hbm>>
        tpu.wait_dma2 semaphore(%run_scoped3A : memref<!tpu.dma_semaphore, #tpu.memory_space<semaphore_mem>>) src(%dma_wait3A_24 : memref<400x128xf32, #tpu.memory_space<hbm>>) dst(%arg8 : memref<400x128xf32, #tpu.memory_space<vmem>>)
        tpu.yield
      }) : () -> ()
      %scan3A_13 = arith.constant 0 : i32
      %scan3A_14 = arith.constant 0 : i32
      %scan3A_15 = arith.constant 25 : i32
      %scan3A_16 = arith.addi %scan3A_14, %scan3A_15 : i32
      %scan3A_17 = arith.constant 1 : i32
      scf.for %scan3A_19 = %scan3A_14 to %scan3A_16 step %scan3A_17  : i32 {
        %mul3A_20 = arith.constant 16 : i32
        %mul3A_21 = arith.muli %scan3A_19, %mul3A_20 : i32
        %get3A = arith.index_cast %mul3A_21 : i32 to index
        %get3A_22 = tpu.vector_load %arg7[%get3A] {strides = array<i32>} : memref<400xi32, #tpu.memory_space<vmem>>, vector<16xi32>,
        %gather3A = tpu.vector_load_idx %arg6[%get3A_22] : memref<10000xf32, #tpu.memory_space<vmem>>[vector<16xi32>], vector<16xf32>,
        %mul3A_23 = arith.constant 16 : i32
        %mul3A_24 = arith.muli %scan3A_19, %mul3A_23 : i32
        %iota3A = tpu.iota {dimensions = array<i32: 0>} : vector<16xi32>
        %add3A_25 = vector.broadcast %mul3A_24 : i32 to vector<16xi32>
        %add3A_26 = arith.addi %add3A_25, %iota3A : vector<16xi32>
        %gather3A_27 = tpu.vector_load_idx %arg8[%add3A_26, %broadcast_in_dim3A_3] : memref<400x128xf32, #tpu.memory_space<vmem>>[vector<16xi32>, vector<16xi32>], vector<16xf32>,
        %div3A = arith.divf %gather3A_27, %gather3A : vector<16xf32>
        %mul3A_28 = arith.constant 16 : i32
        %mul3A_29 = arith.muli %scan3A_19, %mul3A_28 : i32
        %swap3A = arith.index_cast %mul3A_29 : i32 to index
        %swap3A_30 = tpu.vector_load %arg9[%swap3A] {strides = array<i32>} : memref<400xf32, #tpu.memory_space<vmem>>, vector<16xf32>,
        tpu.vector_store %arg9[%swap3A], %div3A {strides = array<i32>} : memref<400xf32, #tpu.memory_space<vmem>>, vector<16xf32>,
      }
      %scan3A_18 = arith.constant 25 : i32
      "tpu.region"() ({
        %run_scoped3A = tpu.sem_alloc : memref<!tpu.dma_semaphore, #tpu.memory_space<semaphore_mem>>
        %dma_start3A = tpu.memref_slice %arg5[%add3A_12] : memref<320000xf32, #tpu.memory_space<hbm>> -> memref<400xf32, #tpu.memory_space<hbm>>
        %dma_start3A_19 = tpu.memref_slice %arg5[%add3A_12] : memref<320000xf32, #tpu.memory_space<hbm>> -> memref<400xf32, #tpu.memory_space<hbm>>
        tpu.enqueue_dma source(%arg9 : memref<400xf32, #tpu.memory_space<vmem>>) target(%dma_start3A_19 : memref<400xf32, #tpu.memory_space<hbm>>) target_semaphore(%run_scoped3A : memref<!tpu.dma_semaphore, #tpu.memory_space<semaphore_mem>>)
        %dma_wait3A = tpu.memref_slice %arg5[%add3A_12] : memref<320000xf32, #tpu.memory_space<hbm>> -> memref<400xf32, #tpu.memory_space<hbm>>
        %dma_wait3A_20 = tpu.memref_slice %arg5[%add3A_12] : memref<320000xf32, #tpu.memory_space<hbm>> -> memref<400xf32, #tpu.memory_space<hbm>>
        tpu.wait_dma2 semaphore(%run_scoped3A : memref<!tpu.dma_semaphore, #tpu.memory_space<semaphore_mem>>) src(%arg9 : memref<400xf32, #tpu.memory_space<vmem>>) dst(%dma_wait3A_20 : memref<400xf32, #tpu.memory_space<hbm>>)
        tpu.yield
      }) : () -> ()
    }
    %scan3A_8 = arith.constant 25 : i32
    return
  }
}

module attributes {stable_mosaic.version = 14 : i64} {
  func.func @_k1_body(%arg0: memref<10000x128xf32, #tpu.memory_space<vmem>>, %arg1: memref<128x128xf32, #tpu.memory_space<vmem>>, %arg2: memref<128x256xf32, #tpu.memory_space<vmem>>, %arg3: memref<1x128xf32, #tpu.memory_space<vmem>>, %arg4: memref<1x256xf32, #tpu.memory_space<vmem>>, %arg5: memref<10000x128xf32, #tpu.memory_space<vmem>>, %arg6: memref<10000x256xf32, #tpu.memory_space<vmem>>) attributes {dimension_semantics = [], scalar_prefetch = 0 : i64, scratch_operands = 0 : i64, tpu.core_type = #tpu.core_type<tc>} {
    %get3A = arith.constant 0 : index
    %get3A_0 = arith.constant 0 : index
    %get3A_1 = vector.load %arg0[%get3A, %get3A_0] : memref<10000x128xf32, #tpu.memory_space<vmem>>, vector<10000x128xf32>
    %get3A_2 = arith.constant 0 : index
    %get3A_3 = arith.constant 0 : index
    %get3A_4 = vector.load %arg1[%get3A_2, %get3A_3] : memref<128x128xf32, #tpu.memory_space<vmem>>, vector<128x128xf32>
    %dot_general3A = arith.constant dense<0.000000e+00> : vector<10000x128xf32>
    %dot_general3A_5 = tpu.matmul %get3A_1, %get3A_4, %dot_general3A {dimension_numbers = #tpu.dot_dimension_numbers<[1], [0], [0], [1], [0, 0, 1, 1], [], []>, transpose_lhs_hint = false} : vector<10000x128xf32>, vector<128x128xf32>, vector<10000x128xf32> -> vector<10000x128xf32>
    %get3A_6 = arith.constant 0 : index
    %get3A_7 = arith.constant 0 : index
    %get3A_8 = vector.load %arg3[%get3A_6, %get3A_7] : memref<1x128xf32, #tpu.memory_space<vmem>>, vector<1x128xf32>
    %add3A = vector.broadcast %get3A_8 : vector<1x128xf32> to vector<10000x128xf32>
    %add3A_9 = arith.addf %dot_general3A_5, %add3A : vector<10000x128xf32>
    %swap3A = arith.constant 0 : index
    %swap3A_10 = arith.constant 0 : index
    %swap3A_11 = vector.load %arg5[%swap3A, %swap3A_10] : memref<10000x128xf32, #tpu.memory_space<vmem>>, vector<10000x128xf32>
    tpu.vector_store %arg5[%swap3A, %swap3A_10], %add3A_9 {strides = array<i32>} : memref<10000x128xf32, #tpu.memory_space<vmem>>, vector<10000x128xf32>,
    %get3A_12 = arith.constant 0 : index
    %get3A_13 = arith.constant 0 : index
    %get3A_14 = vector.load %arg2[%get3A_12, %get3A_13] : memref<128x256xf32, #tpu.memory_space<vmem>>, vector<128x256xf32>
    %dot_general3A_15 = arith.constant dense<0.000000e+00> : vector<10000x256xf32>
    %dot_general3A_16 = tpu.matmul %get3A_1, %get3A_14, %dot_general3A_15 {dimension_numbers = #tpu.dot_dimension_numbers<[1], [0], [0], [1], [0, 0, 1, 1], [], []>, transpose_lhs_hint = false} : vector<10000x128xf32>, vector<128x256xf32>, vector<10000x256xf32> -> vector<10000x256xf32>
    %get3A_17 = arith.constant 0 : index
    %get3A_18 = arith.constant 0 : index
    %get3A_19 = vector.load %arg4[%get3A_17, %get3A_18] : memref<1x256xf32, #tpu.memory_space<vmem>>, vector<1x256xf32>
    %add3A_20 = vector.broadcast %get3A_19 : vector<1x256xf32> to vector<10000x256xf32>
    %add3A_21 = arith.addf %dot_general3A_16, %add3A_20 : vector<10000x256xf32>
    %swap3A_22 = arith.constant 0 : index
    %swap3A_23 = arith.constant 0 : index
    %swap3A_24 = vector.load %arg6[%swap3A_22, %swap3A_23] : memref<10000x256xf32, #tpu.memory_space<vmem>>, vector<10000x256xf32>
    tpu.vector_store %arg6[%swap3A_22, %swap3A_23], %add3A_21 {strides = array<i32>} : memref<10000x256xf32, #tpu.memory_space<vmem>>, vector<10000x256xf32>,
    return
  }
}

module attributes {stable_mosaic.version = 14 : i64} {
  func.func @_k3_body(%arg0: i32, %arg1: memref<2000x128xf32, #tpu.memory_space<vmem>>, %arg2: memref<128x48xf32, #tpu.memory_space<vmem>>, %arg3: memref<128x48xf32, #tpu.memory_space<vmem>>, %arg4: memref<2000x128xf32, #tpu.memory_space<vmem>>, %arg5: memref<1x16xf32, #tpu.memory_space<vmem>>) attributes {dimension_semantics = [#tpu.dimension_semantics<arbitrary>], iteration_bounds = array<i64: 160>, scalar_prefetch = 0 : i64, scratch_operands = 0 : i64, tpu.core_type = #tpu.core_type<tc>, window_params = [{transform_indices = @transform_0, window_bounds = array<i64: 2000, 128>}, {pipeline_mode = #tpu.pipeline_mode<synchronous>, transform_indices = @transform_1, window_bounds = array<i64: 128, 48>}, {pipeline_mode = #tpu.pipeline_mode<synchronous>, transform_indices = @transform_2, window_bounds = array<i64: 128, 48>}, {transform_indices = @transform_3, window_bounds = array<i64: 2000, 128>}, {pipeline_mode = #tpu.pipeline_mode<synchronous>, transform_indices = @transform_4, window_bounds = array<i64: 1, 16>}]} {
    %get3A = arith.constant 0 : index
    %get3A_0 = arith.constant 0 : index
    %get3A_1 = vector.load %arg1[%get3A, %get3A_0] : memref<2000x128xf32, #tpu.memory_space<vmem>>, vector<2000x128xf32>
    %get3A_2 = arith.constant 0 : index
    %get3A_3 = arith.constant 0 : index
    %get3A_4 = vector.load %arg2[%get3A_2, %get3A_3] : memref<128x48xf32, #tpu.memory_space<vmem>>, vector<128x48xf32>
    %dot_general3A = arith.constant dense<0.000000e+00> : vector<2000x48xf32>
    %dot_general3A_5 = tpu.matmul %get3A_1, %get3A_4, %dot_general3A {dimension_numbers = #tpu.dot_dimension_numbers<[1], [0], [0], [1], [0, 0, 1, 1], [], []>, transpose_lhs_hint = false} : vector<2000x128xf32>, vector<128x48xf32>, vector<2000x48xf32> -> vector<2000x48xf32>
    %get3A_6 = arith.constant 0 : index
    %get3A_7 = arith.constant 0 : index
    %get3A_8 = vector.load %arg3[%get3A_6, %get3A_7] : memref<128x48xf32, #tpu.memory_space<vmem>>, vector<128x48xf32>
    %dot_general3A_9 = arith.constant dense<0.000000e+00> : vector<2000x48xf32>
    %dot_general3A_10 = tpu.matmul %get3A_1, %get3A_8, %dot_general3A_9 {dimension_numbers = #tpu.dot_dimension_numbers<[1], [0], [0], [1], [0, 0, 1, 1], [], []>, transpose_lhs_hint = false} : vector<2000x128xf32>, vector<128x48xf32>, vector<2000x48xf32> -> vector<2000x48xf32>
    %slice3A = vector.extract_strided_slice %dot_general3A_5 {offsets = [0, 0], sizes = [2000, 16], strides = [1, 1]} : vector<2000x48xf32> to vector<2000x16xf32>
    %slice3A_11 = vector.extract_strided_slice %dot_general3A_10 {offsets = [0, 0], sizes = [2000, 16], strides = [1, 1]} : vector<2000x48xf32> to vector<2000x16xf32>
    %mul3A = arith.mulf %slice3A, %slice3A_11 : vector<2000x16xf32>
    %slice3A_12 = vector.extract_strided_slice %dot_general3A_5 {offsets = [0, 16], sizes = [2000, 16], strides = [1, 1]} : vector<2000x48xf32> to vector<2000x16xf32>
    %slice3A_13 = vector.extract_strided_slice %dot_general3A_10 {offsets = [0, 16], sizes = [2000, 16], strides = [1, 1]} : vector<2000x48xf32> to vector<2000x16xf32>
    %mul3A_14 = arith.mulf %slice3A_12, %slice3A_13 : vector<2000x16xf32>
    %add3A = arith.addf %mul3A, %mul3A_14 : vector<2000x16xf32>
    %slice3A_15 = vector.extract_strided_slice %dot_general3A_5 {offsets = [0, 32], sizes = [2000, 16], strides = [1, 1]} : vector<2000x48xf32> to vector<2000x16xf32>
    %slice3A_16 = vector.extract_strided_slice %dot_general3A_10 {offsets = [0, 32], sizes = [2000, 16], strides = [1, 1]} : vector<2000x48xf32> to vector<2000x16xf32>
    %mul3A_17 = arith.mulf %slice3A_15, %slice3A_16 : vector<2000x16xf32>
    %add3A_18 = arith.addf %add3A, %mul3A_17 : vector<2000x16xf32>
    %slice3A_19 = vector.extract_strided_slice %get3A_1 {offsets = [0, 0], sizes = [2000, 16], strides = [1, 1]} : vector<2000x128xf32> to vector<2000x16xf32>
    %slice3A_20 = vector.extract_strided_slice %get3A_1 {offsets = [0, 32], sizes = [2000, 96], strides = [1, 1]} : vector<2000x128xf32> to vector<2000x96xf32>
    %concatenate3A = tpu.concatenate %slice3A_19, %add3A_18, %slice3A_20 in 1 : vector<2000x16xf32>, vector<2000x16xf32>, vector<2000x96xf32> -> vector<2000x128xf32>
    %swap3A = arith.constant 0 : index
    %swap3A_21 = arith.constant 0 : index
    %swap3A_22 = vector.load %arg4[%swap3A, %swap3A_21] : memref<2000x128xf32, #tpu.memory_space<vmem>>, vector<2000x128xf32>
    tpu.vector_store %arg4[%swap3A, %swap3A_21], %concatenate3A {strides = array<i32>} : memref<2000x128xf32, #tpu.memory_space<vmem>>, vector<2000x128xf32>,
    %eq3A = arith.constant 0 : i32
    %eq3A_23 = arith.cmpi eq, %arg0, %eq3A : i32
    %convert_element_type3A = arith.extui %eq3A_23 : i1 to i32
    %cond3A = arith.constant 0 : i32
    %cond3A_24 = arith.cmpi ne, %convert_element_type3A, %cond3A : i32
    scf.if %cond3A_24 {
      %broadcast_in_dim3A_34 = arith.constant 0.000000e+00 : f32
      %broadcast_in_dim3A_35 = vector.broadcast %broadcast_in_dim3A_34 : f32 to vector<1x16xf32>
      %swap3A_36 = arith.constant 0 : index
      %swap3A_37 = arith.constant 0 : index
      %swap3A_38 = vector.load %arg5[%swap3A_36, %swap3A_37] : memref<1x16xf32, #tpu.memory_space<vmem>>, vector<1x16xf32>
      tpu.vector_store %arg5[%swap3A_36, %swap3A_37], %broadcast_in_dim3A_35 {strides = array<i32>} : memref<1x16xf32, #tpu.memory_space<vmem>>, vector<1x16xf32>,
    } else {
    }
    %get3A_25 = arith.constant 0 : index
    %get3A_26 = arith.constant 0 : index
    %get3A_27 = vector.load %arg5[%get3A_25, %get3A_26] : memref<1x16xf32, #tpu.memory_space<vmem>>, vector<1x16xf32>
    %mul3A_28 = arith.mulf %add3A_18, %add3A_18 : vector<2000x16xf32>
    %reduce_sum3A = arith.constant dense<0.000000e+00> : vector<16xf32>
    %reduce_sum3A_29 = vector.multi_reduction <add>, %mul3A_28, %reduce_sum3A [0] : vector<2000x16xf32> to vector<16xf32>
    %broadcast_in_dim3A = vector.shape_cast %reduce_sum3A_29 : vector<16xf32> to vector<1x16xf32>
    %add3A_30 = arith.addf %get3A_27, %broadcast_in_dim3A : vector<1x16xf32>
    %swap3A_31 = arith.constant 0 : index
    %swap3A_32 = arith.constant 0 : index
    %swap3A_33 = vector.load %arg5[%swap3A_31, %swap3A_32] : memref<1x16xf32, #tpu.memory_space<vmem>>, vector<1x16xf32>
    tpu.vector_store %arg5[%swap3A_31, %swap3A_32], %add3A_30 {strides = array<i32>} : memref<1x16xf32, #tpu.memory_space<vmem>>, vector<1x16xf32>,
    return
  }
  func.func @transform_0(%arg0: i32) -> (i32, i32) {
    %c0_i32 = arith.constant 0 : i32
    %c0_i32_0 = arith.constant 0 : i32
    return %arg0, %c0_i32 : i32, i32
  }
  func.func @transform_1(%arg0: i32) -> (i32, i32) {
    %c0_i32 = arith.constant 0 : i32
    %c0_i32_0 = arith.constant 0 : i32
    %c0_i32_1 = arith.constant 0 : i32
    return %c0_i32, %c0_i32_0 : i32, i32
  }
  func.func @transform_2(%arg0: i32) -> (i32, i32) {
    %c0_i32 = arith.constant 0 : i32
    %c0_i32_0 = arith.constant 0 : i32
    %c0_i32_1 = arith.constant 0 : i32
    return %c0_i32, %c0_i32_0 : i32, i32
  }
  func.func @transform_3(%arg0: i32) -> (i32, i32) {
    %c0_i32 = arith.constant 0 : i32
    %c0_i32_0 = arith.constant 0 : i32
    return %arg0, %c0_i32 : i32, i32
  }
  func.func @transform_4(%arg0: i32) -> (i32, i32) {
    %c0_i32 = arith.constant 0 : i32
    %c0_i32_0 = arith.constant 0 : i32
    %c0_i32_1 = arith.constant 0 : i32
    return %c0_i32, %c0_i32_0 : i32, i32
  }
}

module attributes {stable_mosaic.version = 14 : i64} {
  func.func @_k4_body(%arg0: i32, %arg1: memref<2000x128xf32, #tpu.memory_space<vmem>>, %arg2: memref<2000x16xf32, #tpu.memory_space<vmem>>, %arg3: memref<2000x128xf32, #tpu.memory_space<vmem>>, %arg4: memref<2000x256xf32, #tpu.memory_space<vmem>>, %arg5: memref<1x16xf32, #tpu.memory_space<vmem>>, %arg6: memref<16x128xf32, #tpu.memory_space<vmem>>, %arg7: memref<16x128xf32, #tpu.memory_space<vmem>>, %arg8: memref<16x128xf32, #tpu.memory_space<vmem>>, %arg9: memref<16x128xf32, #tpu.memory_space<vmem>>, %arg10: memref<128x128xf32, #tpu.memory_space<vmem>>, %arg11: memref<1x128xf32, #tpu.memory_space<vmem>>, %arg12: memref<128x128xf32, #tpu.memory_space<vmem>>, %arg13: memref<2000x128xf32, #tpu.memory_space<vmem>>, %arg14: memref<2000x128xf32, #tpu.memory_space<vmem>>) attributes {dimension_semantics = [#tpu.dimension_semantics<arbitrary>], iteration_bounds = array<i64: 160>, scalar_prefetch = 0 : i64, scratch_operands = 0 : i64, tpu.core_type = #tpu.core_type<tc>, window_params = [{transform_indices = @transform_0, window_bounds = array<i64: 2000, 128>}, {transform_indices = @transform_1, window_bounds = array<i64: 2000, 16>}, {transform_indices = @transform_2, window_bounds = array<i64: 2000, 128>}, {transform_indices = @transform_3, window_bounds = array<i64: 2000, 256>}, {pipeline_mode = #tpu.pipeline_mode<synchronous>, transform_indices = @transform_4, window_bounds = array<i64: 1, 16>}, {pipeline_mode = #tpu.pipeline_mode<synchronous>, transform_indices = @transform_5, window_bounds = array<i64: 16, 128>}, {pipeline_mode = #tpu.pipeline_mode<synchronous>, transform_indices = @transform_6, window_bounds = array<i64: 16, 128>}, {pipeline_mode = #tpu.pipeline_mode<synchronous>, transform_indices = @transform_7, window_bounds = array<i64: 16, 128>}, {pipeline_mode = #tpu.pipeline_mode<synchronous>, transform_indices = @transform_8, window_bounds = array<i64: 16, 128>}, {pipeline_mode = #tpu.pipeline_mode<synchronous>, transform_indices = @transform_9, window_bounds = array<i64: 128, 128>}, {pipeline_mode = #tpu.pipeline_mode<synchronous>, transform_indices = @transform_10, window_bounds = array<i64: 1, 128>}, {pipeline_mode = #tpu.pipeline_mode<synchronous>, transform_indices = @transform_11, window_bounds = array<i64: 128, 128>}, {transform_indices = @transform_12, window_bounds = array<i64: 2000, 128>}, {transform_indices = @transform_13, window_bounds = array<i64: 2000, 128>}]} {
    %get3A = arith.constant 0 : index
    %get3A_0 = arith.constant 0 : index
    %get3A_1 = vector.load %arg5[%get3A, %get3A_0] : memref<1x16xf32, #tpu.memory_space<vmem>>, vector<1x16xf32>
    %sqrt3A = math.sqrt %get3A_1 : vector<1x16xf32>
    %max3A = arith.constant 9.99999996E-13 : f32
    %max3A_2 = vector.broadcast %max3A : f32 to vector<1x16xf32>
    %max3A_3 = arith.maximumf %sqrt3A, %max3A_2 : vector<1x16xf32>
    %div3A = arith.constant 1.000000e+00 : f32
    %div3A_4 = vector.broadcast %div3A : f32 to vector<1x16xf32>
    %div3A_5 = arith.divf %div3A_4, %max3A_3 : vector<1x16xf32>
    %get3A_6 = arith.constant 0 : index
    %get3A_7 = arith.constant 0 : index
    %get3A_8 = vector.load %arg1[%get3A_6, %get3A_7] : memref<2000x128xf32, #tpu.memory_space<vmem>>, vector<2000x128xf32>
    %slice3A = vector.extract_strided_slice %get3A_8 {offsets = [0, 16], sizes = [2000, 16], strides = [1, 1]} : vector<2000x128xf32> to vector<2000x16xf32>
    %mul3A = vector.broadcast %div3A_5 : vector<1x16xf32> to vector<2000x16xf32>
    %mul3A_9 = arith.mulf %slice3A, %mul3A : vector<2000x16xf32>
    %get3A_10 = arith.constant 0 : index
    %get3A_11 = arith.constant 0 : index
    %get3A_12 = vector.load %arg2[%get3A_10, %get3A_11] : memref<2000x16xf32, #tpu.memory_space<vmem>>, vector<2000x16xf32>
    %get3A_13 = arith.constant 0 : index
    %get3A_14 = arith.constant 0 : index
    %get3A_15 = vector.load %arg4[%get3A_13, %get3A_14] : memref<2000x256xf32, #tpu.memory_space<vmem>>, vector<2000x128xf32>
    %get3A_16 = arith.constant 0 : index
    %get3A_17 = arith.constant 0 : index
    %get3A_18 = vector.load %arg6[%get3A_16, %get3A_17] : memref<16x128xf32, #tpu.memory_space<vmem>>, vector<16x128xf32>
    %dot_general3A = arith.constant dense<0.000000e+00> : vector<2000x128xf32>
    %dot_general3A_19 = tpu.matmul %mul3A_9, %get3A_18, %dot_general3A {dimension_numbers = #tpu.dot_dimension_numbers<[1], [0], [0], [1], [0, 0, 1, 1], [], []>, transpose_lhs_hint = false} : vector<2000x16xf32>, vector<16x128xf32>, vector<2000x128xf32> -> vector<2000x128xf32>
    %add3A = arith.addf %get3A_15, %dot_general3A_19 : vector<2000x128xf32>
    %get3A_20 = arith.constant 0 : index
    %get3A_21 = arith.constant 0 : index
    %get3A_22 = vector.load %arg8[%get3A_20, %get3A_21] : memref<16x128xf32, #tpu.memory_space<vmem>>, vector<16x128xf32>
    %dot_general3A_23 = arith.constant dense<0.000000e+00> : vector<2000x128xf32>
    %dot_general3A_24 = tpu.matmul %get3A_12, %get3A_22, %dot_general3A_23 {dimension_numbers = #tpu.dot_dimension_numbers<[1], [0], [0], [1], [0, 0, 1, 1], [], []>, transpose_lhs_hint = false} : vector<2000x16xf32>, vector<16x128xf32>, vector<2000x128xf32> -> vector<2000x128xf32>
    %add3A_25 = arith.addf %add3A, %dot_general3A_24 : vector<2000x128xf32>
    %get3A_26 = arith.constant 0 : index
    %get3A_27 = arith.constant 128 : index
    %get3A_28 = vector.load %arg4[%get3A_26, %get3A_27] : memref<2000x256xf32, #tpu.memory_space<vmem>>, vector<2000x128xf32>
    %get3A_29 = arith.constant 0 : index
    %get3A_30 = arith.constant 0 : index
    %get3A_31 = vector.load %arg7[%get3A_29, %get3A_30] : memref<16x128xf32, #tpu.memory_space<vmem>>, vector<16x128xf32>
    %dot_general3A_32 = arith.constant dense<0.000000e+00> : vector<2000x128xf32>
    %dot_general3A_33 = tpu.matmul %mul3A_9, %get3A_31, %dot_general3A_32 {dimension_numbers = #tpu.dot_dimension_numbers<[1], [0], [0], [1], [0, 0, 1, 1], [], []>, transpose_lhs_hint = false} : vector<2000x16xf32>, vector<16x128xf32>, vector<2000x128xf32> -> vector<2000x128xf32>
    %add3A_34 = arith.addf %get3A_28, %dot_general3A_33 : vector<2000x128xf32>
    %get3A_35 = arith.constant 0 : index
    %get3A_36 = arith.constant 0 : index
    %get3A_37 = vector.load %arg9[%get3A_35, %get3A_36] : memref<16x128xf32, #tpu.memory_space<vmem>>, vector<16x128xf32>
    %dot_general3A_38 = arith.constant dense<0.000000e+00> : vector<2000x128xf32>
    %dot_general3A_39 = tpu.matmul %get3A_12, %get3A_37, %dot_general3A_38 {dimension_numbers = #tpu.dot_dimension_numbers<[1], [0], [0], [1], [0, 0, 1, 1], [], []>, transpose_lhs_hint = false} : vector<2000x16xf32>, vector<16x128xf32>, vector<2000x128xf32> -> vector<2000x128xf32>
    %add3A_40 = arith.addf %add3A_34, %dot_general3A_39 : vector<2000x128xf32>
    %get3A_41 = arith.constant 0 : index
    %get3A_42 = arith.constant 0 : index
    %get3A_43 = vector.load %arg3[%get3A_41, %get3A_42] : memref<2000x128xf32, #tpu.memory_space<vmem>>, vector<2000x128xf32>
    %mul3A_44 = arith.mulf %get3A_43, %add3A_25 : vector<2000x128xf32>
    %reduce_sum3A = arith.constant dense<0.000000e+00> : vector<2000xf32>
    %reduce_sum3A_45 = vector.multi_reduction <add>, %mul3A_44, %reduce_sum3A [1] : vector<2000x128xf32> to vector<2000xf32>
    %broadcast_in_dim3A = vector.shape_cast %reduce_sum3A_45 : vector<2000xf32> to vector<2000x1xf32>
    %exp3A = math.exp %broadcast_in_dim3A : vector<2000x1xf32>
    %mul3A_46 = vector.broadcast %exp3A : vector<2000x1xf32> to vector<2000x128xf32>
    %mul3A_47 = arith.mulf %mul3A_46, %add3A_40 : vector<2000x128xf32>
    %swap3A = arith.constant 0 : index
    %swap3A_48 = arith.constant 0 : index
    %swap3A_49 = vector.load %arg13[%swap3A, %swap3A_48] : memref<2000x128xf32, #tpu.memory_space<vmem>>, vector<2000x128xf32>
    tpu.vector_store %arg13[%swap3A, %swap3A_48], %mul3A_47 {strides = array<i32>} : memref<2000x128xf32, #tpu.memory_space<vmem>>, vector<2000x128xf32>,
    %get3A_50 = arith.constant 0 : index
    %get3A_51 = arith.constant 0 : index
    %get3A_52 = vector.load %arg10[%get3A_50, %get3A_51] : memref<128x128xf32, #tpu.memory_space<vmem>>, vector<128x128xf32>
    %dot_general3A_53 = arith.constant dense<0.000000e+00> : vector<2000x128xf32>
    %dot_general3A_54 = tpu.matmul %add3A_40, %get3A_52, %dot_general3A_53 {dimension_numbers = #tpu.dot_dimension_numbers<[1], [0], [0], [1], [0, 0, 1, 1], [], []>, transpose_lhs_hint = false} : vector<2000x128xf32>, vector<128x128xf32>, vector<2000x128xf32> -> vector<2000x128xf32>
    %get3A_55 = arith.constant 0 : index
    %get3A_56 = arith.constant 0 : index
    %get3A_57 = vector.load %arg11[%get3A_55, %get3A_56] : memref<1x128xf32, #tpu.memory_space<vmem>>, vector<1x128xf32>
    %add3A_58 = vector.broadcast %get3A_57 : vector<1x128xf32> to vector<2000x128xf32>
    %add3A_59 = arith.addf %dot_general3A_54, %add3A_58 : vector<2000x128xf32>
    %logistic3A = arith.negf %add3A_59 : vector<2000x128xf32>
    %logistic3A_60 = math.exp %logistic3A : vector<2000x128xf32>
    %logistic3A_61 = arith.constant 1.000000e+00 : f32
    %logistic3A_62 = vector.broadcast %logistic3A_61 : f32 to vector<2000x128xf32>
    %logistic3A_63 = arith.addf %logistic3A_62, %logistic3A_60 : vector<2000x128xf32>
    %logistic3A_64 = arith.divf %logistic3A_62, %logistic3A_63 : vector<2000x128xf32>
    %mul3A_65 = arith.mulf %add3A_59, %logistic3A_64 : vector<2000x128xf32>
    %get3A_66 = arith.constant 0 : index
    %get3A_67 = arith.constant 0 : index
    %get3A_68 = vector.load %arg12[%get3A_66, %get3A_67] : memref<128x128xf32, #tpu.memory_space<vmem>>, vector<128x128xf32>
    %dot_general3A_69 = arith.constant dense<0.000000e+00> : vector<2000x128xf32>
    %dot_general3A_70 = tpu.matmul %mul3A_65, %get3A_68, %dot_general3A_69 {dimension_numbers = #tpu.dot_dimension_numbers<[1], [0], [0], [1], [0, 0, 1, 1], [], []>, transpose_lhs_hint = false} : vector<2000x128xf32>, vector<128x128xf32>, vector<2000x128xf32> -> vector<2000x128xf32>
    %mul3A_71 = vector.broadcast %exp3A : vector<2000x1xf32> to vector<2000x128xf32>
    %mul3A_72 = arith.mulf %mul3A_71, %dot_general3A_70 : vector<2000x128xf32>
    %mul3A_73 = arith.mulf %get3A_8, %mul3A_72 : vector<2000x128xf32>
    %iota3A = tpu.iota {dimensions = array<i32: 1>} : vector<2000x128xi32>
    %ge3A = arith.constant 12 : i32
    %ge3A_74 = vector.broadcast %ge3A : i32 to vector<2000x128xi32>
    %ge3A_75 = arith.cmpi sge, %iota3A, %ge3A_74 : vector<2000x128xi32>
    %jit3A = arith.constant 0.000000e+00 : f32
    %broadcast_in_dim3A_76 = vector.broadcast %jit3A : f32 to vector<2000x128xf32>
    %select_n3A = arith.select %ge3A_75, %broadcast_in_dim3A_76, %mul3A_73 : vector<2000x128xi1>, vector<2000x128xf32>
    %eq3A = arith.constant 15 : i32
    %eq3A_77 = vector.broadcast %eq3A : i32 to vector<2000x128xi32>
    %eq3A_78 = arith.cmpi eq, %iota3A, %eq3A_77 : vector<2000x128xi32>
    %broadcast_in_dim3A_79 = vector.shape_cast %exp3A : vector<2000x1xf32> to vector<2000x1xf32>
    %broadcast_in_dim3A_80 = vector.broadcast %broadcast_in_dim3A_79 : vector<2000x1xf32> to vector<2000x128xf32>
    %select_n3A_81 = arith.select %eq3A_78, %broadcast_in_dim3A_80, %select_n3A : vector<2000x128xi1>, vector<2000x128xf32>
    %swap3A_82 = arith.constant 0 : index
    %swap3A_83 = arith.constant 0 : index
    %swap3A_84 = vector.load %arg14[%swap3A_82, %swap3A_83] : memref<2000x128xf32, #tpu.memory_space<vmem>>, vector<2000x128xf32>
    tpu.vector_store %arg14[%swap3A_82, %swap3A_83], %select_n3A_81 {strides = array<i32>} : memref<2000x128xf32, #tpu.memory_space<vmem>>, vector<2000x128xf32>,
    return
  }
  func.func @transform_0(%arg0: i32) -> (i32, i32) {
    %c0_i32 = arith.constant 0 : i32
    %c0_i32_0 = arith.constant 0 : i32
    return %arg0, %c0_i32 : i32, i32
  }
  func.func @transform_1(%arg0: i32) -> (i32, i32) {
    %c0_i32 = arith.constant 0 : i32
    %c0_i32_0 = arith.constant 0 : i32
    return %arg0, %c0_i32 : i32, i32
  }
  func.func @transform_2(%arg0: i32) -> (i32, i32) {
    %c0_i32 = arith.constant 0 : i32
    %c0_i32_0 = arith.constant 0 : i32
    return %arg0, %c0_i32 : i32, i32
  }
  func.func @transform_3(%arg0: i32) -> (i32, i32) {
    %c0_i32 = arith.constant 0 : i32
    %c0_i32_0 = arith.constant 0 : i32
    return %arg0, %c0_i32 : i32, i32
  }
  func.func @transform_4(%arg0: i32) -> (i32, i32) {
    %c0_i32 = arith.constant 0 : i32
    %c0_i32_0 = arith.constant 0 : i32
    %c0_i32_1 = arith.constant 0 : i32
    return %c0_i32, %c0_i32_0 : i32, i32
  }
  func.func @transform_5(%arg0: i32) -> (i32, i32) {
    %c0_i32 = arith.constant 0 : i32
    %c0_i32_0 = arith.constant 0 : i32
    %c0_i32_1 = arith.constant 0 : i32
    return %c0_i32, %c0_i32_0 : i32, i32
  }
  func.func @transform_6(%arg0: i32) -> (i32, i32) {
    %c0_i32 = arith.constant 0 : i32
    %c0_i32_0 = arith.constant 0 : i32
    %c0_i32_1 = arith.constant 0 : i32
    return %c0_i32, %c0_i32_0 : i32, i32
  }
  func.func @transform_7(%arg0: i32) -> (i32, i32) {
    %c0_i32 = arith.constant 0 : i32
    %c0_i32_0 = arith.constant 0 : i32
    %c0_i32_1 = arith.constant 0 : i32
    return %c0_i32, %c0_i32_0 : i32, i32
  }
  func.func @transform_8(%arg0: i32) -> (i32, i32) {
    %c0_i32 = arith.constant 0 : i32
    %c0_i32_0 = arith.constant 0 : i32
    %c0_i32_1 = arith.constant 0 : i32
    return %c0_i32, %c0_i32_0 : i32, i32
  }
  func.func @transform_9(%arg0: i32) -> (i32, i32) {
    %c0_i32 = arith.constant 0 : i32
    %c0_i32_0 = arith.constant 0 : i32
    %c0_i32_1 = arith.constant 0 : i32
    return %c0_i32, %c0_i32_0 : i32, i32
  }
  func.func @transform_10(%arg0: i32) -> (i32, i32) {
    %c0_i32 = arith.constant 0 : i32
    %c0_i32_0 = arith.constant 0 : i32
    %c0_i32_1 = arith.constant 0 : i32
    return %c0_i32, %c0_i32_0 : i32, i32
  }
  func.func @transform_11(%arg0: i32) -> (i32, i32) {
    %c0_i32 = arith.constant 0 : i32
    %c0_i32_0 = arith.constant 0 : i32
    %c0_i32_1 = arith.constant 0 : i32
    return %c0_i32, %c0_i32_0 : i32, i32
  }
  func.func @transform_12(%arg0: i32) -> (i32, i32) {
    %c0_i32 = arith.constant 0 : i32
    %c0_i32_0 = arith.constant 0 : i32
    return %arg0, %c0_i32 : i32, i32
  }
  func.func @transform_13(%arg0: i32) -> (i32, i32) {
    %c0_i32 = arith.constant 0 : i32
    %c0_i32_0 = arith.constant 0 : i32
    return %arg0, %c0_i32 : i32, i32
  }
}

module attributes {stable_mosaic.version = 14 : i64} {
  func.func @_k6_body(%arg0: memref<10000x128xf32, #tpu.memory_space<vmem>>, %arg1: memref<10000x16xf32, #tpu.memory_space<vmem>>, %arg2: memref<20480x128xf32, #tpu.memory_space<vmem>>, %arg3: memref<20480x128xf32, #tpu.memory_space<vmem>>, %arg4: memref<10000x128xf32, #tpu.memory_space<vmem>>, %arg5: memref<10000x16xf32, #tpu.memory_space<vmem>>) attributes {dimension_semantics = [], scalar_prefetch = 0 : i64, scratch_operands = 0 : i64, tpu.core_type = #tpu.core_type<tc>} {
    %get3A = arith.constant 0 : index
    %get3A_0 = arith.constant 0 : index
    %get3A_1 = vector.load %arg3[%get3A, %get3A_0] : memref<20480x128xf32, #tpu.memory_space<vmem>>, vector<10000x16xf32>
    %get3A_2 = arith.constant 10240 : index
    %get3A_3 = arith.constant 0 : index
    %get3A_4 = vector.load %arg3[%get3A_2, %get3A_3] : memref<20480x128xf32, #tpu.memory_space<vmem>>, vector<10000x16xf32>
    %add3A = arith.addf %get3A_1, %get3A_4 : vector<10000x16xf32>
    %slice3A = vector.extract_strided_slice %add3A {offsets = [0, 15], sizes = [10000, 1], strides = [1, 1]} : vector<10000x16xf32> to vector<10000x1xf32>
    %ne3A = arith.constant 0.000000e+00 : f32
    %ne3A_5 = vector.broadcast %ne3A : f32 to vector<10000x1xf32>
    %ne3A_6 = arith.cmpf one, %slice3A, %ne3A_5 : vector<10000x1xf32>
    %div3A = arith.constant 1.000000e+00 : f32
    %div3A_7 = vector.broadcast %div3A : f32 to vector<10000x1xf32>
    %div3A_8 = arith.divf %div3A_7, %slice3A : vector<10000x1xf32>
    %jit3A = arith.constant 0.000000e+00 : f32
    %broadcast_in_dim3A = vector.broadcast %jit3A : f32 to vector<10000x1xf32>
    %select_n3A = arith.select %ne3A_6, %div3A_8, %broadcast_in_dim3A : vector<10000x1xi1>, vector<10000x1xf32>
    %get3A_9 = arith.constant 0 : index
    %get3A_10 = arith.constant 0 : index
    %get3A_11 = vector.load %arg0[%get3A_9, %get3A_10] : memref<10000x128xf32, #tpu.memory_space<vmem>>, vector<10000x128xf32>
    %get3A_12 = arith.constant 0 : index
    %get3A_13 = arith.constant 0 : index
    %get3A_14 = vector.load %arg2[%get3A_12, %get3A_13] : memref<20480x128xf32, #tpu.memory_space<vmem>>, vector<10000x128xf32>
    %get3A_15 = arith.constant 10240 : index
    %get3A_16 = arith.constant 0 : index
    %get3A_17 = vector.load %arg2[%get3A_15, %get3A_16] : memref<20480x128xf32, #tpu.memory_space<vmem>>, vector<10000x128xf32>
    %add3A_18 = arith.addf %get3A_14, %get3A_17 : vector<10000x128xf32>
    %mul3A = vector.broadcast %select_n3A : vector<10000x1xf32> to vector<10000x128xf32>
    %mul3A_19 = arith.mulf %add3A_18, %mul3A : vector<10000x128xf32>
    %add3A_20 = arith.addf %get3A_11, %mul3A_19 : vector<10000x128xf32>
    %swap3A = arith.constant 0 : index
    %swap3A_21 = arith.constant 0 : index
    %swap3A_22 = vector.load %arg4[%swap3A, %swap3A_21] : memref<10000x128xf32, #tpu.memory_space<vmem>>, vector<10000x128xf32>
    tpu.vector_store %arg4[%swap3A, %swap3A_21], %add3A_20 {strides = array<i32>} : memref<10000x128xf32, #tpu.memory_space<vmem>>, vector<10000x128xf32>,
    %get3A_23 = arith.constant 0 : index
    %get3A_24 = arith.constant 0 : index
    %get3A_25 = vector.load %arg1[%get3A_23, %get3A_24] : memref<10000x16xf32, #tpu.memory_space<vmem>>, vector<10000x16xf32>
    %mul3A_26 = vector.broadcast %select_n3A : vector<10000x1xf32> to vector<10000x16xf32>
    %mul3A_27 = arith.mulf %add3A, %mul3A_26 : vector<10000x16xf32>
    %add3A_28 = arith.addf %get3A_25, %mul3A_27 : vector<10000x16xf32>
    %swap3A_29 = arith.constant 0 : index
    %swap3A_30 = arith.constant 0 : index
    %swap3A_31 = vector.load %arg5[%swap3A_29, %swap3A_30] : memref<10000x16xf32, #tpu.memory_space<vmem>>, vector<10000x16xf32>
    tpu.vector_store %arg5[%swap3A_29, %swap3A_30], %add3A_28 {strides = array<i32>} : memref<10000x16xf32, #tpu.memory_space<vmem>>, vector<10000x16xf32>,
    return
  }
}

</mosaic_0001>

<sc_bundles>
// kernel: kernel.10.cloned.1.call-start
scs
__scs_entry_jumppad:
0x0: {  	(pc) =	sbr.rel $0x88, $3  }
0x1: {  	(tag) =	ssettag $0x0;
	lr =	simm.s32 $0x1  }
0x2: {  	[smem:$0x3F96] =	sst lr;
	_ =	strace $0xD0000000  }
0x3: {  	_ = 	snop  }
0x4: {  	_ = 	snop  }
0x5: {  	_ = 	snop  }
0x6: {  	_ = 	snop  }
0x7: {  	_ = 	snop  }
__scs_overlays_trampoline_lowered:
0x8: {  	[smem:$0x3FA5] =	sst s0  }
0x9: {  	[smem:$0x3FA6] =	sst s1  }
0xa: {  	[smem:$0x3FA7] =	sst s2  }
0xb: {  	[smem:$0x3FA8] =	sst s3  }
0xc: {  	[smem:$0x3FA9] =	sst s4  }
0xd: {  	[smem:$0x3FAA] =	sst s5  }
0xe: {  	[smem:$0x3FAB] =	sst s6  }
0xf: {  	[smem:$0x3FAC] =	sst s7  }
0x10: {  	[smem:$0x3FAD] =	sst s8  }
0x11: {  	[smem:$0x3FAE] =	sst s9;
	s0 =	simm.s32 @!p0 $0x0  }
0x12: {  	s1 =	sld [smem:$0x3F94];
	s0 =	simm.s32 @p0 $0x1  }
0x13: {  	[smem:$0x3FAF] =	sst s0;
	s0 =	simm.s32 @!p1 $0x0  }
0x14: {  	s2 =	sld [smem:$0x3F93];
	s0 =	simm.s32 @p1 $0x1  }
0x15: {  	[smem:$0x3FB0] =	sst s0;
	s0 =	simm.s32 @!p2 $0x0  }
0x16: {  	s3 =	sld [smem:$0x3FDB];
	s0 =	simm.s32 @p2 $0x1  }
0x17: {  	s4 =	simm.s32 $0x1BF5;
	[smem:$0x3FB2] =	sst s0  }
0x18: {  	s0 =	sld [smem:$0x3F95];
	_ =	swait.ge [sflag:s4], $0x0  }
0x19: {  	s7 =	sld [smem:$0x3F96]  }
0x1a: {  	s8 =	sadd.s32 $0xFFFFE003, lr  }
0x1b: {  	s9 =	sadd.s32 $0xFFFFFEF7, lr;
	s5 =	simm.s32 $0xFFFFFFFF;
	p2 =	slt.u32 s8, $0xFFFFF086  }
0x1c: {  	p1 =	slt.u32 s9, $0xF7A;
	s5 =	simm.s32 @!p2 $0x0  }
0x1d: {  	s5 =	simm.s32 @p1 $0x1;
	p0 =	seq.s32 s7, s2  }
0x1e: {  	s7 =	smul.u32 @!p0 $0xF7A, s2;
	p2 =	seq.s32 @!p0 s5, $0x0  }
0x1f: {  	s9 =	smul.u32 $0xF7A, s1;
	s8 =	simm.s32 @!p0 $0x1BF5;
	p2 =	por !p2, p0  }
0x20: {  	[sflag:s8] =	ssyncset.s32 @!p0 $0xFFFFF086;
	s6 =	sadd.s32 @!p0 s3, s7;
	s7 =	simm.s32 @!p0 $0x108  }
0x21: {  	s3 =	sadd.s32 s3, s9;
	s6 =	sadd.s32 @!p0 $0x88, s6;
	s7 =	simm.s32 @p2 $0x1082  }
0x22: {  	[simem:s7], [sflag:s8] =	dma.local @!p0 [hbm:s6], $0xF7A  }
0x23: {  	s9 =	sor.u32 $0xD0000000, s2;
	s6 =	simm.s32 $0x108;
	_ =	swait.ge @!p0 [sflag:s8], $0x0  }
0x24: {  	s3 =	sadd.s32 $0x88, s3;
	s6 =	simm.s32 @!p1 $0x1082;
	[sflag:s4] =	ssyncset.s32 $0xFFFFF086  }
0x25: {  	[simem:s6], [sflag:s4] =	dma.local [hbm:s3], $0xF7A  }
0x26: {  	[smem:$0x3F96] =	sst s1;
	(tag) =	ssettag s2;
	_ =	strace s9  }
0x27: {  	s1 =	sld [smem:$0x3FA6]  }
0x28: {  	s2 =	sld [smem:$0x3FA7]  }
0x29: {  	s4 =	sld [smem:$0x3FA9]  }
0x2a: {  	p0 =	seq.s32 s5, $0x0;
	s5 =	sld [smem:$0x3FAA]  }
0x2b: {  	s6 =	sld [smem:$0x3FAB]  }
0x2c: {  	s7 =	sld [smem:$0x3FAC]  }
0x2d: {  	s3 =	simm.s32 $0x108;
	s8 =	sld [smem:$0x3FAD]  }
0x2e: {  	s3 =	simm.s32 @!p0 $0x1082;
	s9 =	sld [smem:$0x3FAE]  }
0x2f: {  	lr =	sadd.s32 s0, s3;
	s0 =	sld [smem:$0x3FA5]  }
0x30: {  	s3 =	sld [smem:$0x3FA8]  }
0x31: {  	[smem:$0x3FB1] =	sst s10  }
0x32: {  	s10 =	sld [smem:$0x3FAF];
	_ =	sdelay $0x3  }
0x33: {  	p0 =	seq.s32 s10, $0x1;
	s10 =	sld [smem:$0x3FB1];
	_ =	sdelay $0x3  }
0x34: {  	[smem:$0x3FB1] =	sst s10  }
0x35: {  	s10 =	sld [smem:$0x3FB0];
	_ =	sdelay $0x3  }
0x36: {  	p1 =	seq.s32 s10, $0x1;
	s10 =	sld [smem:$0x3FB1];
	_ =	sdelay $0x3  }
0x37: {  	[smem:$0x3FB1] =	sst s10  }
0x38: {  	s10 =	sld [smem:$0x3FB2]  }
0x39: {  	_ = 	snop;
	(pc) =	sbr.ind lr, $3  }
0x3a: {  	_ = 	snop  }
0x3b: {  	_ = 	snop  }
0x3c: {  	p2 =	seq.s32 s10, $0x1;
	s10 =	sld [smem:$0x3FB1]  }
0x3d: {  	_ =	shalt  }
0x3e: {  	_ =	shalt  }
0x3f: {  	_ =	shalt  }
0x40: {  	_ =	shalt  }
0x41: {  	_ =	shalt  }
0x42: {  	_ =	shalt  }
0x43: {  	_ =	shalt  }
0x44: {  	_ =	shalt  }
0x45: {  	_ =	shalt  }
0x46: {  	_ =	shalt  }
0x47: {  	_ =	shalt  }
0x48: {  	_ =	shalt  }
0x49: {  	_ =	shalt  }
0x4a: {  	_ =	shalt  }
0x4b: {  	_ =	shalt  }
0x4c: {  	_ =	shalt  }
0x4d: {  	_ =	shalt  }
0x4e: {  	_ =	shalt  }
0x4f: {  	_ =	shalt  }
0x50: {  	_ =	shalt  }
0x51: {  	_ =	shalt  }
0x52: {  	_ =	shalt  }
0x53: {  	_ =	shalt  }
0x54: {  	_ =	shalt  }
0x55: {  	_ =	shalt  }
0x56: {  	_ =	shalt  }
0x57: {  	_ =	shalt  }
0x58: {  	_ =	shalt  }
0x59: {  	_ =	shalt  }
0x5a: {  	_ =	shalt  }
0x5b: {  	_ =	shalt  }
0x5c: {  	_ =	shalt  }
0x5d: {  	_ =	shalt  }
0x5e: {  	_ =	shalt  }
0x5f: {  	_ =	shalt  }
0x60: {  	_ =	shalt  }
0x61: {  	_ =	shalt  }
0x62: {  	_ =	shalt  }
0x63: {  	_ =	shalt  }
0x64: {  	_ =	shalt  }
0x65: {  	_ =	shalt  }
0x66: {  	_ =	shalt  }
0x67: {  	_ =	shalt  }
0x68: {  	_ =	shalt  }
0x69: {  	_ =	shalt  }
0x6a: {  	_ =	shalt  }
0x6b: {  	_ =	shalt  }
0x6c: {  	_ =	shalt  }
0x6d: {  	_ =	shalt  }
0x6e: {  	_ =	shalt  }
0x6f: {  	_ =	shalt  }
0x70: {  	_ =	shalt  }
0x71: {  	_ =	shalt  }
0x72: {  	_ =	shalt  }
0x73: {  	_ =	shalt  }
0x74: {  	_ =	shalt  }
0x75: {  	_ =	shalt  }
0x76: {  	_ =	shalt  }
0x77: {  	_ =	shalt  }
0x78: {  	_ =	shalt  }
0x79: {  	_ =	shalt  }
0x7a: {  	_ =	shalt  }
0x7b: {  	_ =	shalt  }
0x7c: {  	_ =	shalt  }
0x7d: {  	_ =	shalt  }
0x7e: {  	_ =	shalt  }
0x7f: {  	_ =	shalt  }
0x80: {  	_ =	shalt  }
0x81: {  	_ =	shalt  }
0x82: {  	_ =	shalt  }
0x83: {  	_ =	shalt  }
0x84: {  	_ =	shalt  }
0x85: {  	_ =	shalt  }
0x86: {  	_ =	shalt  }
0x87: {  	_ =	shalt  }
.Lfunc_end0:
.L_simem_size_0:
called_computation_lowered:
.L_overlay_start_0:
0x88: {  	s2 =	sld [smem:$0x3FD9]  }
0x89: {  	s3 =	sld [smem:$0x3FFE];
	_ =	sdelay $0x1  }
0x8a: {  	s1 =	srdreg.scid  }
0x8b: {  	s0 =	sand.u32 $0x1, s1  }
0x8c: {  	s14 =	sshll.u32 s0, $0xA;
	s2 =	sadd.s32 s3, s2  }
0x8d: {  	s2 =	sadd.s32 s2, s14  }
0x8e: {  	[smem:$0x3FBD] =	sst s2  }
0x8f: {  	_ = 	snop  }
0x90: {  	s2 =	sld [smem:$0x3FD0];
	_ =	sdelay $0x2  }
0x91: {  	s15 =	simm.s32 $0xB;
	s4 =	simm.s32 $0x10  }
0x92: {  	[smem:s4], [sflag:s15] =	dma.local [hbm:s2], $0x1  }
0x93: {  	_ =	swait.eq [sflag:s15], $0x1  }
0x94: {  	[sflag:s15] =	ssyncset.done $0x0  }
0x95: {  	[sflag:s15] =	ssyncadd.s32 $0xFFFFFFFF  }
0x96: {  	s16 =	sld [smem:$0x12];
	(tm) =	ssettm $0x1  }
0x97: {  	s17 =	sld [smem:$0x3FFB];
	_ =	sdelay $0x3  }
0x98: {  	_ =	strace s17  }
0x99: {  	s3 =	sld [smem:$0x3FFC];
	_ =	sdelay $0x3  }
0x9a: {  	_ =	strace s3  }
0x9b: {  	s3 =	sld [smem:$0x3FFD];
	_ =	sdelay $0x3  }
0x9c: {  	_ =	strace s3  }
0x9d: {  	_ =	strace $0x8FFFFFFF  }
0x9e: {  	s18 =	sld [smem:$0x3FDB];
	_ =	sdelay $0x1  }
0x9f: {  	s19 =	simm.s32 $_scs_section_size  }
0xa0: {  	s5 =	simm.s32 $_size__tile_overlayer_lowered;
	s6 =	simm.s32 $_tile_overlayer_lowered  }
0xa1: {  	s22 =	simm.s32 $0x1BFF;
	s21 =	sshll.u32 s6, $0x1;
	s3 =	sadd.s32 s19, s18  }
0xa2: {  	s7 =	simm.s32 $0x0;
	s20 =	sshll.u32 s5, $0x1;
	s5 =	sadd.s32 s21, s3  }
0xa3: {  	[timem:s7], [sflag:s22] =	dma.local [hbm:s5], s20  }
0xa4: {  	_ =	swait.ge [sflag:s22], s20  }
0xa5: {  	s4 =	ssub.s32 $0x0, s20;
	[sflag:s22] =	ssyncset.done $0x0  }
0xa6: {  	[sflag:s22] =	ssyncadd.s32 s4;
	_ =	sdelay $0x1  }
0xa7: {  	s23 =	simm.s32 $0x1B8B  }
0xa8: {  	_ =	swait.ge [sflag:s23], $0x1  }
0xa9: {  	[sflag:s23] =	ssyncset.done $0x0  }
0xaa: {  	s25 =	simm.s32 $0x1B8E;
	s24 =	sld [smem:$0x3FFE];
	[sflag:s23] =	ssyncadd.s32 $0xFFFFFFFF  }
0xab: {  	s26 =	simm.s32 $execute0_lowered;
	[smem:$0x3FD2] =	sst s25  }
0xac: {  	s5 =	sshll.u32 s26, $0x1;
	_ =	strace $0x80000046;
	[dreg:$0x1] =	wrdreg $0xFFFFFFFF  }
0xad: {  	s28 =	simm.s32 $_size_execute0_lowered;
	s3 =	sadd.s32 s3, s5;
	[dreg:$0x0] =	wrdreg $0x0  }
0xae: {  	s5 =	sshll.u32 s28, $0x1;
	[dreg:$0x2] =	wrdreg s3  }
0xaf: {  	[dreg:$0x3] =	wrdreg s5  }
0xb0: {  	[dreg:$0x4] =	wrdreg $0xC0  }
0xb1: {  	_ =	task [dreg:s7], $0x5FFFF  }
0xb2: {  	[dreg:$0x1] =	wrdreg $0xFFFFFFFF  }
0xb3: {  	[dreg:$0x0] =	wrdreg $0x60  }
0xb4: {  	[dreg:$0x2] =	wrdreg s24  }
0xb5: {  	[dreg:$0x3] =	wrdreg s16  }
0xb6: {  	[dreg:$0x4] =	wrdreg $0x9  }
0xb7: {  	_ =	task.clear_ibuf [dreg:s7], $0x5FFFF;
	_ =	strace $0x90000046  }
0xb8: {  	s29 =	simm.s32 $0x9;
	_ =	strace $0x80000048  }
0xb9: {  	_ =	swait.ge [sflag:s29], $0x1  }
0xba: {  	[sflag:s29] =	ssyncadd.s32 $0xFFFFFFFF  }
0xbb: {  	_ =	strace $0x90000048  }
0xbc: {  	_ =	sfence  }
0xbd: {  	s30 =	sld [smem:$0x0];
	_ =	sdelay $0x2  }
0xbe: {  	s31 =	sshll.u32 s1, $0xD;
	s1 =	sshrl.u32 s1, $0x2  }
0xbf: {  	s3 =	sand.u32 $0x4000, s31;
	s1 =	sadd.s32 s1, s30  }
0xc0: {  	s0 =	sor.u32 s3, s0;
	s1 =	sshll.u32 s1, $0x11  }
0xc1: {  	s0 =	sor.u32 s1, s0  }
0xc2: {  	s0 =	sadd.s32 $0x8F2B, s0  }
0xc3: {  	[sflag:s0] =	ssyncadd.remote.s32 $0x1  }
0xc4: {  	_ =	sfence.sel $0xFFFF  }
0xc5: {  	[dreg:$0x0] =	wrdreg $0xFFFFFFFF;
	(pc) =	sbr.abs _section_cstart, $3  }
0xc6: {  	[dreg:$0x1] =	wrdreg $0xFFFFFFFF  }
0xc7: {  	_ =	task.clear_ibuf [dreg:s7], $0x2FFFF;
	_ =	strace $0x9FFFFFFF  }
0xc8: {  	(tm) =	ssettm $0x7FFFFFFF  }
0xc9: {  	_ =	shalt  }
tec
execute0_lowered:
.L_overlay_start_1:
0x0: {  	(tag) =	ssettag $0x1  }
0x1: {  	s0 =	rddreg [dreg:$0x0];
	s2 =	simm.s32 $0x0;
	s1 =	srdreg.scid  }
0x2: {  	s10 =	stileid.u32;
	s13 =	simm.s32 $0x2;
	s14 =	simm.s32 $0x80  }
0x3: {  	s15 =	simm.s32 $0x50;
	s18 =	simm.s32 $0x7900;
	s19 =	simm.s32 $0xA100  }
0x4: {  	s20 =	simm.s32 $0xA900;
	s21 =	simm.s32 $0xB100;
	s22 =	simm.s32 $0xB900  }
0x5: {  	s23 =	simm.s32 $0xC100;
	s24 =	simm.s32 $0xC900;
	s25 =	simm.s32 $0xD100  }
0x6: {  	s28 =	simm.s32 $0xE100;
	s29 =	simm.s32 $0xE900;
	s30 =	simm.s32 $0x1  }
0x7: {  	s31 =	simm.s32 $0x5100;
	[smem:$0x7FF] =	sst s2;
	s3 =	sadd.s32 $0xE00, s0  }
0x8: {  	s4 =	sadd.s32 $0xAC00, s0;
	s6 =	sadd.s32 $0x80000, s0;
	s1 =	sand.u32 $0x1, s1  }
0x9: {  	s7 =	sadd.s32 $0x31E00, s0;
	s8 =	sadd.s32 $0xA7200, s0;
	s5 =	ssub.s32 $0x2, s1  }
0xa: {  	s9 =	sadd.s32 $0x589200, s0;
	s12 =	sshll.u32 s10, $0x1;
	s11 =	sshrl.u32 s5, $0x1  }
0xb: {  	v3 =	vlaneseq.u32;
	s10 =	sadd.s32 $0xA6B200, s0;
	s1 =	sor.u32 s1, s12;
	s26 =	ssub.s32 s5, s11  }
0xc: {  	v0 =	vimm.f32 $0.0e+00;
	vm0 =	vmmov $0xffff;
	v2 =	vshrl.u32 v3, $0x3;
	_ =	strace $0x80000047;
	s11 =	smul.u32 $0x2710, s1;
	s0 =	smax.u32 s26, $0x1  }
0xd: {  	v1 =	vand.u32 $0x7, v3;
	v3 =	vor.u32 $0x8, v3;
	v2 =	vmul.u32 $0x8, v2;
	s1 =	simm.s32 $0x0;
	s26 =	simm.s32 $0xD900;
	[dreg:$0x3] =	wrdreg s0  }
.LBB2_1:
0xe: {  	[dreg:$0x4] =	wrdreg s1;
	s0 =	simm.s32 $0x0;
	s5 =	simm.s32 $0x200  }
.LBB2_2:
0xf: {  	p0 =	sne.s32 s5, $0x9E00;
	[tilespmem:s0+$0x5170] =	vst v0  }
0x10: {  	[tilespmem:s0+$0x5100] =	vst v0  }
0x11: {  	[tilespmem:s0+$0x5110] =	vst v0  }
.Ltmp0:
0x12: {  	[tilespmem:s0+$0x5120] =	vst v0;
	(pc) =	sbr.rel @p0 .LBB2_2-.Ltmp0, $4  }
0x13: {  	[tilespmem:s0+$0x5130] =	vst v0  }
0x14: {  	[tilespmem:s0+$0x5140] =	vst v0  }
0x15: {  	[tilespmem:s0+$0x5150] =	vst v0  }
0x16: {  	[tilespmem:s0+$0x5160] =	vst v0;
	s0 =	sshra.s32 s5, $0x2;
	s5 =	sadd.s32 $0x200, s5  }
0x17: {  	[tilespmem:s0+$0x5170] =	vst v0  }
0x18: {  	[tilespmem:s0+$0x5100] =	vst v0  }
0x19: {  	[tilespmem:s0+$0x5110] =	vst v0  }
0x1a: {  	[tilespmem:s0+$0x5120] =	vst v0  }
0x1b: {  	[tilespmem:s0+$0x5130] =	vst v0  }
0x1c: {  	[tilespmem:s0+$0x5140] =	vst v0  }
0x1d: {  	[tilespmem:s0+$0x5150] =	vst v0  }
0x1e: {  	s5 =	simm.s32 $0x0;
	[tilespmem:s0+$0x5160] =	vst v0;
	s12 =	simm.s32 $0x0  }
.LBB2_4:
0x1f: {  	s0 =	smul.u32 $0x50, s12;
	_ =	sdelay $0x1  }
0x20: {  	s0 =	sadd.s32 s11, s0  }
0x21: {  	s1 =	sshrl.u32 s0, $0x3  }
0x22: {  	s16 =	sadd.s32 s3, s1  }
0x23: {  	[tilespmem:s5], [sflag:$0x2] =	stream.linear.gather [hbm4b:s16+s5], $0x50, $0x38;
	[tilespmem:$0xF100] =	vst v63  }
0x24: {  	_ =	swait.ge [sflag:s13], $0x50  }
0x25: {  	[sflag:s13] =	ssyncset.done $0x0  }
0x26: {  	[sflag:s13] =	ssyncadd.s32 $0xFFFFFFB0  }
0x27: {  	s17 =	rddreg [dreg:$0x1]  }
0x28: {  	s1 =	sadd.s32 s17, s1  }
0x29: {  	[tilespmem:s14], [sflag:$0x2] =	stream.linear.gather [hbm4b:s1+s5], $0x50, $0x38;
	[tilespmem:$0xF100] =	vst v63  }
0x2a: {  	_ =	swait.ge [sflag:s13], $0x50  }
0x2b: {  	[sflag:s13] =	ssyncset.done $0x0  }
0x2c: {  	s16 =	simm.s32 $0x100;
	[sflag:s13] =	ssyncadd.s32 $0xFFFFFFB0  }
0x2d: {  	[tilespmem:s16], [sflag:$0x1] =	stream.indirect.gather [hbm4b:s4+s15], $0x80, s5, s15, $0xb8;
	[tilespmem:$0xF100] =	vst v63  }
0x2e: {  	s17 =	simm.s32 $0x2900  }
0x2f: {  	[tilespmem:s17], [sflag:$0x1] =	stream.indirect.gather [hbm4b:s4+s15], $0x80, s14, s15, $0xb8;
	[tilespmem:$0xF100] =	vst v63  }
0x30: {  	_ = 	snop  }
0x31: {  	[tilespmem:s18], [sflag:$0x1] =	stream.indirect.gather [hbm4b:s6+s15], $0x80, s5, s15, $0xb8;
	[tilespmem:$0xF100] =	vst v63  }
0x32: {  	v4 =	vld [tilespmem:$0x80];
	_ =	sdelay $0x4  }
0x33: {  	v5 =	vshll.u32 v4, $0x1  }
0x34: {  	v4 =	vand.u32 $0x7, v4;
	v5 =	vand.u32 $0xFFFFFFF0, v5  }
0x35: {  	v4 =	vor.u32 v4, v5  }
0x36: {  	v5 =	vperm.xlane v4, v1;
	_ =	sdelay $0x1  }
0x37: {  	v4 =	vperm.xlane v4, v3;
	v5 =	vadd.s32 v2, v5;
	_ =	sdelay $0x1  }
0x38: {  	v4 =	vadd.s32 v2, v4;
	_ =	sdelay $0x2  }
0x39: {  	[tilespmem:s19], [sflag:$0x1] =	stream.indirect_vreg.gather [hbm4b:s7+s5], $0x80, v5, vm0, $0xb8;
	[tilespmem:$0xF100] =	vst v63  }
0x3a: {  	_ = 	snop  }
0x3b: {  	[tilespmem:s20], [sflag:$0x1] =	stream.indirect_vreg.gather [hbm4b:s7+s5], $0x80, v4, vm0, $0xb8;
	[tilespmem:$0xF100] =	vst v63  }
0x3c: {  	v4 =	vld [tilespmem:$0x90];
	_ =	sdelay $0x4  }
0x3d: {  	v5 =	vshll.u32 v4, $0x1  }
0x3e: {  	v4 =	vand.u32 $0x7, v4;
	v5 =	vand.u32 $0xFFFFFFF0, v5  }
0x3f: {  	v4 =	vor.u32 v4, v5  }
0x40: {  	v5 =	vperm.xlane v4, v1;
	_ =	sdelay $0x1  }
0x41: {  	v4 =	vperm.xlane v4, v3;
	v5 =	vadd.s32 v2, v5;
	_ =	sdelay $0x1  }
0x42: {  	v4 =	vadd.s32 v2, v4;
	_ =	sdelay $0x2  }
0x43: {  	[tilespmem:s21], [sflag:$0x1] =	stream.indirect_vreg.gather [hbm4b:s7+s5], $0x80, v5, vm0, $0xb8;
	[tilespmem:$0xF100] =	vst v63  }
0x44: {  	_ = 	snop  }
0x45: {  	[tilespmem:s22], [sflag:$0x1] =	stream.indirect_vreg.gather [hbm4b:s7+s5], $0x80, v4, vm0, $0xb8;
	[tilespmem:$0xF100] =	vst v63  }
0x46: {  	v4 =	vld [tilespmem:$0xA0];
	_ =	sdelay $0x4  }
0x47: {  	v5 =	vshll.u32 v4, $0x1  }
0x48: {  	v4 =	vand.u32 $0x7, v4;
	v5 =	vand.u32 $0xFFFFFFF0, v5  }
0x49: {  	v4 =	vor.u32 v4, v5  }
0x4a: {  	v5 =	vperm.xlane v4, v1;
	_ =	sdelay $0x1  }
0x4b: {  	v4 =	vperm.xlane v4, v3;
	v5 =	vadd.s32 v2, v5;
	_ =	sdelay $0x1  }
0x4c: {  	v4 =	vadd.s32 v2, v4;
	_ =	sdelay $0x2  }
0x4d: {  	[tilespmem:s23], [sflag:$0x1] =	stream.indirect_vreg.gather [hbm4b:s7+s5], $0x80, v5, vm0, $0xb8;
	[tilespmem:$0xF100] =	vst v63  }
0x4e: {  	_ = 	snop  }
0x4f: {  	[tilespmem:s24], [sflag:$0x1] =	stream.indirect_vreg.gather [hbm4b:s7+s5], $0x80, v4, vm0, $0xb8;
	[tilespmem:$0xF100] =	vst v63  }
0x50: {  	v4 =	vld [tilespmem:$0xB0];
	_ =	sdelay $0x4  }
0x51: {  	v5 =	vshll.u32 v4, $0x1  }
0x52: {  	v4 =	vand.u32 $0x7, v4;
	v5 =	vand.u32 $0xFFFFFFF0, v5  }
0x53: {  	v4 =	vor.u32 v4, v5  }
0x54: {  	v5 =	vperm.xlane v4, v1;
	_ =	sdelay $0x1  }
0x55: {  	v4 =	vperm.xlane v4, v3;
	v5 =	vadd.s32 v2, v5;
	_ =	sdelay $0x1  }
0x56: {  	v4 =	vadd.s32 v2, v4;
	_ =	sdelay $0x2  }
0x57: {  	[tilespmem:s25], [sflag:$0x1] =	stream.indirect_vreg.gather [hbm4b:s7+s5], $0x80, v5, vm0, $0xb8;
	[tilespmem:$0xF100] =	vst v63  }
0x58: {  	_ = 	snop  }
0x59: {  	[tilespmem:s26], [sflag:$0x1] =	stream.indirect_vreg.gather [hbm4b:s7+s5], $0x80, v4, vm0, $0xb8;
	[tilespmem:$0xF100] =	vst v63  }
0x5a: {  	v4 =	vld [tilespmem:$0xC0];
	_ =	sdelay $0x4  }
0x5b: {  	v5 =	vshll.u32 v4, $0x1  }
0x5c: {  	v4 =	vand.u32 $0x7, v4;
	v5 =	vand.u32 $0xFFFFFFF0, v5  }
0x5d: {  	v4 =	vor.u32 v4, v5  }
0x5e: {  	v5 =	vperm.xlane v4, v1;
	_ =	sdelay $0x1  }
0x5f: {  	v4 =	vperm.xlane v4, v3;
	v5 =	vadd.s32 v2, v5;
	_ =	sdelay $0x1  }
0x60: {  	v4 =	vadd.s32 v2, v4;
	_ =	sdelay $0x2  }
0x61: {  	[tilespmem:s28], [sflag:$0x1] =	stream.indirect_vreg.gather [hbm4b:s7+s5], $0x80, v5, vm0, $0xb8;
	[tilespmem:$0xF100] =	vst v63  }
0x62: {  	_ = 	snop  }
0x63: {  	[tilespmem:s29], [sflag:$0x1] =	stream.indirect_vreg.gather [hbm4b:s7+s5], $0x80, v4, vm0, $0xb8;
	[tilespmem:$0xF100] =	vst v63  }
0x64: {  	_ =	swait.ge [sflag:s30], $0x2800  }
0x65: {  	[sflag:s30] =	ssyncset.done $0x0  }
0x66: {  	[sflag:s30] =	ssyncadd.s32 $0xFFFFD800  }
0x67: {  	_ =	swait.ge [sflag:s30], $0x2800  }
0x68: {  	[sflag:s30] =	ssyncset.done $0x0  }
0x69: {  	[sflag:s30] =	ssyncadd.s32 $0xFFFFD800  }
0x6a: {  	_ =	swait.ge [sflag:s30], $0x2800  }
0x6b: {  	[sflag:s30] =	ssyncset.done $0x0  }
0x6c: {  	[sflag:s30] =	ssyncadd.s32 $0xFFFFD800  }
0x6d: {  	_ =	swait.ge [sflag:s30], $0x5000  }
0x6e: {  	[sflag:s30] =	ssyncset.done $0x0  }
0x6f: {  	s1 =	simm.s32 $0x0;
	[sflag:s30] =	ssyncadd.s32 $0xFFFFB000  }
0x70: {  	v4 =	vld [tilespmem:s1+$0x100]  }
0x71: {  	s16 =	simm.s32 $0x200;
	v5 =	vld [tilespmem:s1+$0x2900]  }
.LBB2_5:
0x72: {  	_ = 	snop  }
0x73: {  	p0 =	sne.s32 s16, $0x9E00  }
.Ltmp1:
0x74: {  	_ = 	snop;
	(pc) =	sbr.rel @p0 .LBB2_5-.Ltmp1, $4  }
0x75: {  	_ = 	snop  }
0x76: {  	s17 =	sshra.s32 s16, $0x2;
	v6 =	vsub.f32 v4, v5  }
0x77: {  	v4 =	vld [tilespmem:s17+$0x100]  }
0x78: {  	s16 =	sadd.s32 $0x200, s16;
	v5 =	vld [tilespmem:s17+$0x2900];
	[tilespmem:s1+$0x5100] =	vst v6;
	s1 =	smov.u32 s17  }
0x79: {  	_ =	sdelay $0x3  }
0x7a: {  	v4 =	vsub.f32 v4, v5  }
0x7b: {  	s16 =	sshll.u32 s0, $0x4  }
0x7c: {  	s17 =	sadd.s32 s8, s16;
	[tilespmem:s1+$0x5100] =	vst v4  }
0x7d: {  	[hbm4b:s17+s2] =	stream.linear.scatter [tilespmem:s31], [sflag:$0x2], $0x2800, $0x38;
	[tilespmem:$0xF100] =	vst v63  }
0x7e: {  	_ =	swait.ge [sflag:s13], $0x2800  }
0x7f: {  	[sflag:s13] =	ssyncset.done $0x0  }
0x80: {  	s16 =	sadd.s32 s9, s16;
	[sflag:s13] =	ssyncadd.s32 $0xFFFFD800  }
0x81: {  	[hbm4b:s16+s2] =	stream.linear.scatter [tilespmem:s18], [sflag:$0x2], $0x2800, $0x38;
	[tilespmem:$0xF100] =	vst v63  }
0x82: {  	s12 =	sadd.s32 $0x1, s12;
	_ =	swait.ge [sflag:s13], $0x2800  }
0x83: {  	p0 =	sne.s32 s12, $0x7D;
	s17 =	sshll.u32 s0, $0x5;
	[sflag:s13] =	ssyncset.done $0x0  }
.Ltmp2:
0x84: {  	s0 =	sadd.s32 s10, s17;
	[sflag:s13] =	ssyncadd.s32 $0xFFFFD800;
	(pc) =	sbr.rel @p0 .LBB2_4-.Ltmp2, $4  }
0x85: {  	[hbm4b:s0+s2] =	stream.linear.scatter [tilespmem:s19], [sflag:$0x2], $0x5000, $0x38;
	[tilespmem:$0xF100] =	vst v63  }
0x86: {  	_ =	swait.ge [sflag:s13], $0x5000  }
0x87: {  	[sflag:s13] =	ssyncset.done $0x0  }
0x88: {  	[sflag:s13] =	ssyncadd.s32 $0xFFFFB000  }
0x89: {  	s1 =	rddreg [dreg:$0x4]  }
0x8a: {  	s0 =	rddreg [dreg:$0x3];
	s1 =	sadd.s32 $0x1, s1  }
0x8b: {  	p0 =	sne.s32 s1, s0  }
.Ltmp3:
0x8c: {  	_ = 	snop;
	(pc) =	sbr.rel @p0 .LBB2_1-.Ltmp3, $1  }
0x8d: {  	_ =	sdelay $0x3  }
0x8e: {  	_ =	sfence.sel $0x180000  }
0x8f: {  	[bflag:$0x0] =	sbarrier.arrive $0xFFFF  }
0x90: {  	_ =	strace $0x90000047  }
0x91: {  	s0 =	stileid.u32;
	[bflag:$0x2] =	sbarrier.arrive $0xFFFF  }
0x92: {  	p0 =	sne.s32 s0, $0x0;
	s0 =	rddreg [dreg:$0x2]  }
0x93: {  	s0 =	sadd.s32 @!p0 $0x100000, s0  }
0x94: {  	[sflag:s0] =	ssyncadd.tile.s32 @!p0 $0x1;
	_ =	shalt  }
.Lfunc_end2:
_tile_overlayer_lowered:
.L_overlay_start_2:
0x95: {  	(tag) =	ssettag $0x2  }
0x96: {  	s0 =	rddreg [dreg:$0x0];
	s2 =	stileid.u32  }
0x97: {  	s1 =	rddreg [dreg:$0x1];
	p0 =	sne.s32 s2, $0x0  }
0x98: {  	s3 =	rddreg [dreg:$0x2];
	[bflag:$0x3] =	sbarrier.arrive $0xFFFF;
	s2 =	simm.s32 @!p0 $0x1C02  }
0x99: {  	[timem:s3], [sflag:s2] =	dma.local @!p0 [hbm:s0], s1  }
0x9a: {  	s0 =	simm.s32 @!p0 $0x2  }
0x9b: {  	_ =	swait.ge @!p0 [sflag:s0], s1  }
0x9c: {  	s1 =	ssub.s32 @!p0 $0x0, s1;
	[sflag:s0] =	ssyncset.done @!p0 $0x0  }
0x9d: {  	[sflag:s0] =	ssyncadd.s32 @!p0 s1  }
0x9e: {  	[bflag:$0x3] =	sbarrier.arrive $0xFFFF  }
0x9f: {  	_ =	shalt  }

// kernel: kernel.13.cloned.1.call-start
scs
__scs_entry_jumppad:
0x0: {  	(pc) =	sbr.rel $0x88, $3  }
0x1: {  	(tag) =	ssettag $0x0;
	lr =	simm.s32 $0x1  }
0x2: {  	[smem:$0x3F96] =	sst lr;
	_ =	strace $0xD0000000  }
0x3: {  	_ = 	snop  }
0x4: {  	_ = 	snop  }
0x5: {  	_ = 	snop  }
0x6: {  	_ = 	snop  }
0x7: {  	_ = 	snop  }
__scs_overlays_trampoline_lowered:
0x8: {  	[smem:$0x3FA5] =	sst s0  }
0x9: {  	[smem:$0x3FA6] =	sst s1  }
0xa: {  	[smem:$0x3FA7] =	sst s2  }
0xb: {  	[smem:$0x3FA8] =	sst s3  }
0xc: {  	[smem:$0x3FA9] =	sst s4  }
0xd: {  	[smem:$0x3FAA] =	sst s5  }
0xe: {  	[smem:$0x3FAB] =	sst s6  }
0xf: {  	[smem:$0x3FAC] =	sst s7  }
0x10: {  	[smem:$0x3FAD] =	sst s8  }
0x11: {  	[smem:$0x3FAE] =	sst s9;
	s0 =	simm.s32 @!p0 $0x0  }
0x12: {  	s1 =	sld [smem:$0x3F94];
	s0 =	simm.s32 @p0 $0x1  }
0x13: {  	[smem:$0x3FAF] =	sst s0;
	s0 =	simm.s32 @!p1 $0x0  }
0x14: {  	s2 =	sld [smem:$0x3F93];
	s0 =	simm.s32 @p1 $0x1  }
0x15: {  	[smem:$0x3FB0] =	sst s0;
	s0 =	simm.s32 @!p2 $0x0  }
0x16: {  	s3 =	sld [smem:$0x3FDB];
	s0 =	simm.s32 @p2 $0x1  }
0x17: {  	s4 =	simm.s32 $0x1BF5;
	[smem:$0x3FB2] =	sst s0  }
0x18: {  	s0 =	sld [smem:$0x3F95];
	_ =	swait.ge [sflag:s4], $0x0  }
0x19: {  	s7 =	sld [smem:$0x3F96]  }
0x1a: {  	s8 =	sadd.s32 $0xFFFFE003, lr  }
0x1b: {  	s9 =	sadd.s32 $0xFFFFFEF7, lr;
	s5 =	simm.s32 $0xFFFFFFFF;
	p2 =	slt.u32 s8, $0xFFFFF086  }
0x1c: {  	p1 =	slt.u32 s9, $0xF7A;
	s5 =	simm.s32 @!p2 $0x0  }
0x1d: {  	s5 =	simm.s32 @p1 $0x1;
	p0 =	seq.s32 s7, s2  }
0x1e: {  	s7 =	smul.u32 @!p0 $0xF7A, s2;
	p2 =	seq.s32 @!p0 s5, $0x0  }
0x1f: {  	s9 =	smul.u32 $0xF7A, s1;
	s8 =	simm.s32 @!p0 $0x1BF5;
	p2 =	por !p2, p0  }
0x20: {  	[sflag:s8] =	ssyncset.s32 @!p0 $0xFFFFF086;
	s6 =	sadd.s32 @!p0 s3, s7;
	s7 =	simm.s32 @!p0 $0x108  }
0x21: {  	s3 =	sadd.s32 s3, s9;
	s6 =	sadd.s32 @!p0 $0x88, s6;
	s7 =	simm.s32 @p2 $0x1082  }
0x22: {  	[simem:s7], [sflag:s8] =	dma.local @!p0 [hbm:s6], $0xF7A  }
0x23: {  	s9 =	sor.u32 $0xD0000000, s2;
	s6 =	simm.s32 $0x108;
	_ =	swait.ge @!p0 [sflag:s8], $0x0  }
0x24: {  	s3 =	sadd.s32 $0x88, s3;
	s6 =	simm.s32 @!p1 $0x1082;
	[sflag:s4] =	ssyncset.s32 $0xFFFFF086  }
0x25: {  	[simem:s6], [sflag:s4] =	dma.local [hbm:s3], $0xF7A  }
0x26: {  	[smem:$0x3F96] =	sst s1;
	(tag) =	ssettag s2;
	_ =	strace s9  }
0x27: {  	s1 =	sld [smem:$0x3FA6]  }
0x28: {  	s2 =	sld [smem:$0x3FA7]  }
0x29: {  	s4 =	sld [smem:$0x3FA9]  }
0x2a: {  	p0 =	seq.s32 s5, $0x0;
	s5 =	sld [smem:$0x3FAA]  }
0x2b: {  	s6 =	sld [smem:$0x3FAB]  }
0x2c: {  	s7 =	sld [smem:$0x3FAC]  }
0x2d: {  	s3 =	simm.s32 $0x108;
	s8 =	sld [smem:$0x3FAD]  }
0x2e: {  	s3 =	simm.s32 @!p0 $0x1082;
	s9 =	sld [smem:$0x3FAE]  }
0x2f: {  	lr =	sadd.s32 s0, s3;
	s0 =	sld [smem:$0x3FA5]  }
0x30: {  	s3 =	sld [smem:$0x3FA8]  }
0x31: {  	[smem:$0x3FB1] =	sst s10  }
0x32: {  	s10 =	sld [smem:$0x3FAF];
	_ =	sdelay $0x3  }
0x33: {  	p0 =	seq.s32 s10, $0x1;
	s10 =	sld [smem:$0x3FB1];
	_ =	sdelay $0x3  }
0x34: {  	[smem:$0x3FB1] =	sst s10  }
0x35: {  	s10 =	sld [smem:$0x3FB0];
	_ =	sdelay $0x3  }
0x36: {  	p1 =	seq.s32 s10, $0x1;
	s10 =	sld [smem:$0x3FB1];
	_ =	sdelay $0x3  }
0x37: {  	[smem:$0x3FB1] =	sst s10  }
0x38: {  	s10 =	sld [smem:$0x3FB2]  }
0x39: {  	_ = 	snop;
	(pc) =	sbr.ind lr, $3  }
0x3a: {  	_ = 	snop  }
0x3b: {  	_ = 	snop  }
0x3c: {  	p2 =	seq.s32 s10, $0x1;
	s10 =	sld [smem:$0x3FB1]  }
0x3d: {  	_ =	shalt  }
0x3e: {  	_ =	shalt  }
0x3f: {  	_ =	shalt  }
0x40: {  	_ =	shalt  }
0x41: {  	_ =	shalt  }
0x42: {  	_ =	shalt  }
0x43: {  	_ =	shalt  }
0x44: {  	_ =	shalt  }
0x45: {  	_ =	shalt  }
0x46: {  	_ =	shalt  }
0x47: {  	_ =	shalt  }
0x48: {  	_ =	shalt  }
0x49: {  	_ =	shalt  }
0x4a: {  	_ =	shalt  }
0x4b: {  	_ =	shalt  }
0x4c: {  	_ =	shalt  }
0x4d: {  	_ =	shalt  }
0x4e: {  	_ =	shalt  }
0x4f: {  	_ =	shalt  }
0x50: {  	_ =	shalt  }
0x51: {  	_ =	shalt  }
0x52: {  	_ =	shalt  }
0x53: {  	_ =	shalt  }
0x54: {  	_ =	shalt  }
0x55: {  	_ =	shalt  }
0x56: {  	_ =	shalt  }
0x57: {  	_ =	shalt  }
0x58: {  	_ =	shalt  }
0x59: {  	_ =	shalt  }
0x5a: {  	_ =	shalt  }
0x5b: {  	_ =	shalt  }
0x5c: {  	_ =	shalt  }
0x5d: {  	_ =	shalt  }
0x5e: {  	_ =	shalt  }
0x5f: {  	_ =	shalt  }
0x60: {  	_ =	shalt  }
0x61: {  	_ =	shalt  }
0x62: {  	_ =	shalt  }
0x63: {  	_ =	shalt  }
0x64: {  	_ =	shalt  }
0x65: {  	_ =	shalt  }
0x66: {  	_ =	shalt  }
0x67: {  	_ =	shalt  }
0x68: {  	_ =	shalt  }
0x69: {  	_ =	shalt  }
0x6a: {  	_ =	shalt  }
0x6b: {  	_ =	shalt  }
0x6c: {  	_ =	shalt  }
0x6d: {  	_ =	shalt  }
0x6e: {  	_ =	shalt  }
0x6f: {  	_ =	shalt  }
0x70: {  	_ =	shalt  }
0x71: {  	_ =	shalt  }
0x72: {  	_ =	shalt  }
0x73: {  	_ =	shalt  }
0x74: {  	_ =	shalt  }
0x75: {  	_ =	shalt  }
0x76: {  	_ =	shalt  }
0x77: {  	_ =	shalt  }
0x78: {  	_ =	shalt  }
0x79: {  	_ =	shalt  }
0x7a: {  	_ =	shalt  }
0x7b: {  	_ =	shalt  }
0x7c: {  	_ =	shalt  }
0x7d: {  	_ =	shalt  }
0x7e: {  	_ =	shalt  }
0x7f: {  	_ =	shalt  }
0x80: {  	_ =	shalt  }
0x81: {  	_ =	shalt  }
0x82: {  	_ =	shalt  }
0x83: {  	_ =	shalt  }
0x84: {  	_ =	shalt  }
0x85: {  	_ =	shalt  }
0x86: {  	_ =	shalt  }
0x87: {  	_ =	shalt  }
.Lfunc_end0:
.L_simem_size_0:
called_computation.1_lowered:
.L_overlay_start_0:
0x88: {  	s2 =	sld [smem:$0x3FD9]  }
0x89: {  	s3 =	sld [smem:$0x3FFE];
	_ =	sdelay $0x1  }
0x8a: {  	s1 =	srdreg.scid  }
0x8b: {  	s0 =	sand.u32 $0x1, s1  }
0x8c: {  	s17 =	sshll.u32 s0, $0xA;
	s2 =	sadd.s32 s3, s2  }
0x8d: {  	s2 =	sadd.s32 s2, s17  }
0x8e: {  	[smem:$0x3FBD] =	sst s2  }
0x8f: {  	_ = 	snop  }
0x90: {  	(tm) =	ssettm $0x1  }
0x91: {  	s18 =	sld [smem:$0x3FFB];
	_ =	sdelay $0x3  }
0x92: {  	_ =	strace s18  }
0x93: {  	s2 =	sld [smem:$0x3FFC];
	_ =	sdelay $0x3  }
0x94: {  	_ =	strace s2  }
0x95: {  	s2 =	sld [smem:$0x3FFD];
	_ =	sdelay $0x3  }
0x96: {  	_ =	strace s2  }
0x97: {  	_ =	strace $0x8FFFFFFF  }
0x98: {  	s19 =	sld [smem:$0x3FDB];
	_ =	sdelay $0x1  }
0x99: {  	s20 =	simm.s32 $_scs_section_size  }
0x9a: {  	s4 =	simm.s32 $_size__tile_overlayer_lowered;
	s5 =	simm.s32 $_tile_overlayer_lowered  }
0x9b: {  	s6 =	simm.s32 $0x1BFF;
	s21 =	sshll.u32 s5, $0x1;
	s3 =	sadd.s32 s20, s19  }
0x9c: {  	s22 =	simm.s32 $0x0;
	s4 =	sshll.u32 s4, $0x1;
	s5 =	sadd.s32 s21, s3  }
0x9d: {  	[timem:s22], [sflag:s6] =	dma.local [hbm:s5], s4  }
0x9e: {  	_ =	swait.ge [sflag:s6], s4  }
0x9f: {  	s4 =	ssub.s32 $0x0, s4;
	[sflag:s6] =	ssyncset.done $0x0  }
0xa0: {  	[sflag:s6] =	ssyncadd.s32 s4;
	_ =	sdelay $0x1  }
0xa1: {  	s23 =	simm.s32 $0x1B8B  }
0xa2: {  	_ =	swait.ge [sflag:s23], $0x1  }
0xa3: {  	[sflag:s23] =	ssyncset.done $0x0  }
0xa4: {  	[sflag:s23] =	ssyncadd.s32 $0xFFFFFFFF  }
0xa5: {  	s4 =	sld [smem:$0x0]  }
0xa6: {  	s5 =	sand.u32 $0xFFFFFFFE, s1  }
0xa7: {  	p0 =	sne.s32 s1, s5  }
0xa8: {  	s5 =	sshll.u32 @p0 s5, $0xE  }
0xa9: {  	s5 =	sadd.s32 @p0 $0x11B8D, s5;
	s6 =	sshll.u32 @p0 s4, $0x11  }
0xaa: {  	s5 =	sor.u32 @p0 s6, s5  }
0xab: {  	[sflag:s5] =	ssyncadd.remote.s32 @p0 $0x1;
	_ =	sdelay $0x1  }
0xac: {  	s5 =	simm.s32 @p0 $0x1B8D  }
0xad: {  	_ =	swait.eq @p0 [sflag:s5], $0x1  }
0xae: {  	[sflag:s5] =	ssyncadd.s32 @p0 $0xFFFFFFFF  }
0xaf: {  	s6 =	sshll.u32 @!p0 s1, $0xE  }
0xb0: {  	s6 =	sor.u32 @!p0 $0x4000, s6;
	s5 =	simm.s32 @!p0 $0x1B8D  }
0xb1: {  	s4 =	sshll.u32 @!p0 s4, $0x11;
	s6 =	sadd.s32 @!p0 $0x11B8D, s6;
	_ =	swait.eq @!p0 [sflag:s5], $0x1  }
0xb2: {  	s4 =	sor.u32 @!p0 s4, s6;
	[sflag:s5] =	ssyncadd.s32 @!p0 $0xFFFFFFFF  }
0xb3: {  	s25 =	simm.s32 $0x1B8E;
	s24 =	sld [smem:$0x3FFE];
	[sflag:s4] =	ssyncadd.remote.s32 @!p0 $0x1  }
0xb4: {  	s26 =	simm.s32 $execute0_lowered;
	[smem:$0x3FD2] =	sst s25  }
0xb5: {  	s5 =	sshll.u32 s26, $0x1;
	_ =	strace $0x8000004C;
	[dreg:$0x1] =	wrdreg $0xFFFFFFFF  }
0xb6: {  	s28 =	simm.s32 $_size_execute0_lowered;
	s3 =	sadd.s32 s3, s5;
	[dreg:$0x0] =	wrdreg $0x0  }
0xb7: {  	s5 =	sshll.u32 s28, $0x1;
	[dreg:$0x2] =	wrdreg s3  }
0xb8: {  	[dreg:$0x3] =	wrdreg s5  }
0xb9: {  	[dreg:$0x4] =	wrdreg $0xC0  }
0xba: {  	_ =	task [dreg:s22], $0x5FFFF  }
0xbb: {  	[dreg:$0x1] =	wrdreg $0xFFFFFFFF  }
0xbc: {  	[dreg:$0x0] =	wrdreg $0x60  }
0xbd: {  	[dreg:$0x2] =	wrdreg s24  }
0xbe: {  	[dreg:$0x3] =	wrdreg $0x0  }
0xbf: {  	[dreg:$0x4] =	wrdreg $0x9  }
0xc0: {  	_ =	task.clear_ibuf [dreg:s22], $0x5FFFF;
	_ =	strace $0x9000004C  }
0xc1: {  	s29 =	simm.s32 $0x9;
	_ =	strace $0x8000004E  }
0xc2: {  	_ =	swait.ge [sflag:s29], $0x1  }
0xc3: {  	[sflag:s29] =	ssyncadd.s32 $0xFFFFFFFF  }
0xc4: {  	_ =	strace $0x9000004E  }
0xc5: {  	_ =	sfence  }
0xc6: {  	s30 =	sld [smem:$0x0];
	_ =	sdelay $0x2  }
0xc7: {  	s31 =	sshll.u32 s1, $0xD;
	s1 =	sshrl.u32 s1, $0x2  }
0xc8: {  	s4 =	sand.u32 $0x4000, s31;
	s1 =	sadd.s32 s1, s30  }
0xc9: {  	s0 =	sor.u32 s4, s0;
	s1 =	sshll.u32 s1, $0x11  }
0xca: {  	s0 =	sor.u32 s1, s0  }
0xcb: {  	s0 =	sadd.s32 $0x8F2B, s0  }
0xcc: {  	[sflag:s0] =	ssyncadd.remote.s32 $0x1  }
0xcd: {  	_ =	sfence.sel $0xFFFF  }
0xce: {  	[dreg:$0x0] =	wrdreg $0xFFFFFFFF;
	(pc) =	sbr.abs _section_cstart, $3  }
0xcf: {  	[dreg:$0x1] =	wrdreg $0xFFFFFFFF  }
0xd0: {  	_ =	task.clear_ibuf [dreg:s22], $0x2FFFF;
	_ =	strace $0x9FFFFFFF  }
0xd1: {  	(tm) =	ssettm $0x7FFFFFFF  }
tec
execute0_lowered:
.L_overlay_start_1:
0x0: {  	(tag) =	ssettag $0x1  }
0x1: {  	s26 =	stileid.u32  }
0x2: {  	s24 =	smul.u32 $0x4E20, s26  }
0x3: {  	s0 =	srdreg.scid;
	s4 =	smul.u32 $0x4E200, s26  }
0x4: {  	s2 =	sand.u32 $0x1, s0;
	s6 =	smul.u32 $0x500, s26  }
0x5: {  	s1 =	smul.u32 $0x2710, s2  }
0x6: {  	s17 =	sor.u32 $0x20, s26;
	s5 =	smul.u32 $0x28000, s2  }
0x7: {  	s20 =	sor.u32 $0x30, s26;
	s12 =	smul.u32 $0x500, s17  }
0x8: {  	s3 =	rddreg [dreg:$0x0];
	s22 =	sor.u32 $0x40, s26;
	s13 =	smul.u32 $0x500, s20  }
0x9: {  	s7 =	sor.u32 $0x10, s26;
	s23 =	sor.u32 $0x50, s26;
	s14 =	smul.u32 $0x500, s22  }
0xa: {  	s9 =	sadd.s32 $0x4ECC00, s3;
	s8 =	ssub.s32 $0x2, s2;
	s15 =	smul.u32 $0x500, s23  }
0xb: {  	s2 =	smul.u32 $0x27100, s2;
	s4 =	sadd.s32 s4, s3;
	s10 =	sshrl.u32 s8, $0x1  }
0xc: {  	s25 =	sadd.s32 s9, s6;
	s0 =	sadd.s32 s1, s24;
	s1 =	simm.s32 $0x0  }
0xd: {  	s21 =	ssub.s32 s8, s10;
	[dreg:$0x3] =	wrdreg s25;
	s24 =	sor.u32 $0x60, s26  }
0xe: {  	s25 =	sor.u32 $0x70, s26;
	s11 =	sadd.s32 s9, s12;
	s18 =	sadd.s32 s9, s13  }
0xf: {  	s19 =	sadd.s32 s9, s14;
	s8 =	smul.u32 $0xA000, s26;
	[smem:$0x7FF] =	sst s1  }
0x10: {  	s2 =	sadd.s32 s2, s4;
	s26 =	smul.u32 $0xA000, s22;
	[dreg:$0x5] =	wrdreg s11  }
0x11: {  	s0 =	sshrl.u32 s0, $0x3;
	s16 =	smul.u32 $0x500, s24;
	[dreg:$0x6] =	wrdreg s18  }
0x12: {  	s18 =	smul.u32 $0x500, s25;
	[dreg:$0x7] =	wrdreg s19;
	s21 =	smax.u32 s21, $0x1  }
0x13: {  	s0 =	sadd.s32 s0, s3;
	s3 =	sadd.s32 s5, s3;
	s5 =	smul.u32 $0x500, s7  }
0x14: {  	s30 =	sadd.s32 $0xAC00, s2;
	s2 =	simm.s32 $0x14000;
	s7 =	smul.u32 $0xA000, s7  }
0x15: {  	s3 =	sadd.s32 $0x564C00, s3;
	s11 =	sadd.s32 s9, s16;
	s19 =	sadd.s32 s9, s18  }
0x16: {  	s31 =	sadd.s32 $0xE00, s0;
	s0 =	simm.s32 $0x1;
	[dreg:$0x9] =	wrdreg s11  }
0x17: {  	s10 =	sadd.s32 s9, s5;
	[dreg:$0xa] =	wrdreg s19;
	s11 =	sadd.s32 s3, s5  }
0x18: {  	s12 =	sadd.s32 s3, s12;
	s13 =	sadd.s32 s3, s13;
	s14 =	sadd.s32 s3, s14  }
0x19: {  	s16 =	sadd.s32 s3, s16;
	s18 =	sadd.s32 s3, s18;
	s19 =	rddreg [dreg:$0x1]  }
0x1a: {  	[dreg:$0x4] =	wrdreg s10;
	s10 =	sadd.s32 s9, s15;
	s9 =	smul.u32 $0xA000, s17  }
0x1b: {  	s7 =	sshrl.u32 s7, $0x2;
	s15 =	sadd.s32 s3, s15;
	s17 =	smul.u32 $0xA000, s20  }
0x1c: {  	s22 =	sadd.s32 s7, s19;
	[dreg:$0x8] =	wrdreg s10;
	s10 =	sadd.s32 s3, s6  }
0x1d: {  	s3 =	sshrl.u32 s8, $0x2;
	s8 =	smul.u32 $0xA000, s23;
	_ =	strace $0x8000004D  }
0x1e: {  	s20 =	sadd.s32 s3, s19;
	s4 =	sshrl.u32 s9, $0x2;
	s9 =	smul.u32 $0xA000, s24  }
0x1f: {  	s5 =	sshrl.u32 s17, $0x2;
	s3 =	sshrl.u32 s26, $0x2;
	s17 =	smul.u32 $0xA000, s25  }
0x20: {  	s23 =	sadd.s32 s4, s19;
	s24 =	sadd.s32 s5, s19;
	s25 =	sadd.s32 s3, s19  }
0x21: {  	s8 =	sshrl.u32 s8, $0x2;
	s3 =	simm.s32 $0x50;
	s4 =	simm.s32 $0x0  }
0x22: {  	s26 =	sadd.s32 s8, s19;
	s9 =	sshrl.u32 s9, $0x2;
	s17 =	sshrl.u32 s17, $0x2  }
0x23: {  	s28 =	sadd.s32 s9, s19;
	s29 =	sadd.s32 s17, s19;
	s17 =	simm.s32 $0x14080  }
.LBB2_1:
0x24: {  	s5 =	rddreg [dreg:$0x3]  }
0x25: {  	[tilespmem:s17], [sflag:$0x1] =	stream.linear.gather [hbm4b:s5+s1], $0x2800, $0x38;
	[tilespmem:$0x16880] =	vst v63  }
0x26: {  	_ =	swait.ge [sflag:s0], $0x2800  }
0x27: {  	[sflag:s0] =	ssyncset.done $0x0  }
0x28: {  	[sflag:s0] =	ssyncadd.s32 $0xFFFFD800  }
0x29: {  	[spmem:s20] =	stream.linear.scatter [tilespmem:s17], [sflag:$0x1], $0x2800, $0x38;
	[tilespmem:$0x16880] =	vst v63  }
0x2a: {  	_ =	swait.ge [sflag:s0], $0x2800  }
0x2b: {  	[sflag:s0] =	ssyncset.done $0x0  }
0x2c: {  	s6 =	rddreg [dreg:$0x4];
	[sflag:s0] =	ssyncadd.s32 $0xFFFFD800  }
0x2d: {  	[tilespmem:s17], [sflag:$0x1] =	stream.linear.gather [hbm4b:s6+s1], $0x2800, $0x38;
	[tilespmem:$0x16880] =	vst v63  }
0x2e: {  	_ =	swait.ge [sflag:s0], $0x2800  }
0x2f: {  	[sflag:s0] =	ssyncset.done $0x0  }
0x30: {  	[sflag:s0] =	ssyncadd.s32 $0xFFFFD800  }
0x31: {  	[spmem:s22] =	stream.linear.scatter [tilespmem:s17], [sflag:$0x1], $0x2800, $0x38;
	[tilespmem:$0x16880] =	vst v63  }
0x32: {  	_ =	swait.ge [sflag:s0], $0x2800  }
0x33: {  	[sflag:s0] =	ssyncset.done $0x0  }
0x34: {  	s7 =	rddreg [dreg:$0x5];
	[sflag:s0] =	ssyncadd.s32 $0xFFFFD800  }
0x35: {  	[tilespmem:s17], [sflag:$0x1] =	stream.linear.gather [hbm4b:s7+s1], $0x2800, $0x38;
	[tilespmem:$0x16880] =	vst v63  }
0x36: {  	_ =	swait.ge [sflag:s0], $0x2800  }
0x37: {  	[sflag:s0] =	ssyncset.done $0x0  }
0x38: {  	[sflag:s0] =	ssyncadd.s32 $0xFFFFD800  }
0x39: {  	[spmem:s23] =	stream.linear.scatter [tilespmem:s17], [sflag:$0x1], $0x2800, $0x38;
	[tilespmem:$0x16880] =	vst v63  }
0x3a: {  	_ =	swait.ge [sflag:s0], $0x2800  }
0x3b: {  	[sflag:s0] =	ssyncset.done $0x0  }
0x3c: {  	s8 =	rddreg [dreg:$0x6];
	[sflag:s0] =	ssyncadd.s32 $0xFFFFD800  }
0x3d: {  	[tilespmem:s17], [sflag:$0x1] =	stream.linear.gather [hbm4b:s8+s1], $0x2800, $0x38;
	[tilespmem:$0x16880] =	vst v63  }
0x3e: {  	_ =	swait.ge [sflag:s0], $0x2800  }
0x3f: {  	[sflag:s0] =	ssyncset.done $0x0  }
0x40: {  	[sflag:s0] =	ssyncadd.s32 $0xFFFFD800  }
0x41: {  	[spmem:s24] =	stream.linear.scatter [tilespmem:s17], [sflag:$0x1], $0x2800, $0x38;
	[tilespmem:$0x16880] =	vst v63  }
0x42: {  	_ =	swait.ge [sflag:s0], $0x2800  }
0x43: {  	[sflag:s0] =	ssyncset.done $0x0  }
0x44: {  	s9 =	rddreg [dreg:$0x7];
	[sflag:s0] =	ssyncadd.s32 $0xFFFFD800  }
0x45: {  	[tilespmem:s17], [sflag:$0x1] =	stream.linear.gather [hbm4b:s9+s1], $0x2800, $0x38;
	[tilespmem:$0x16880] =	vst v63  }
0x46: {  	_ =	swait.ge [sflag:s0], $0x2800  }
0x47: {  	[sflag:s0] =	ssyncset.done $0x0  }
0x48: {  	[sflag:s0] =	ssyncadd.s32 $0xFFFFD800  }
0x49: {  	[spmem:s25] =	stream.linear.scatter [tilespmem:s17], [sflag:$0x1], $0x2800, $0x38;
	[tilespmem:$0x16880] =	vst v63  }
0x4a: {  	_ =	swait.ge [sflag:s0], $0x2800  }
0x4b: {  	[sflag:s0] =	ssyncset.done $0x0  }
0x4c: {  	s6 =	rddreg [dreg:$0x8];
	[sflag:s0] =	ssyncadd.s32 $0xFFFFD800  }
0x4d: {  	[tilespmem:s17], [sflag:$0x1] =	stream.linear.gather [hbm4b:s6+s1], $0x2800, $0x38;
	[tilespmem:$0x16880] =	vst v63  }
0x4e: {  	_ =	swait.ge [sflag:s0], $0x2800  }
0x4f: {  	[sflag:s0] =	ssyncset.done $0x0  }
0x50: {  	[sflag:s0] =	ssyncadd.s32 $0xFFFFD800  }
0x51: {  	[spmem:s26] =	stream.linear.scatter [tilespmem:s17], [sflag:$0x1], $0x2800, $0x38;
	[tilespmem:$0x16880] =	vst v63  }
0x52: {  	_ =	swait.ge [sflag:s0], $0x2800  }
0x53: {  	[sflag:s0] =	ssyncset.done $0x0  }
0x54: {  	s7 =	rddreg [dreg:$0x9];
	[sflag:s0] =	ssyncadd.s32 $0xFFFFD800  }
0x55: {  	[tilespmem:s17], [sflag:$0x1] =	stream.linear.gather [hbm4b:s7+s1], $0x2800, $0x38;
	[tilespmem:$0x16880] =	vst v63  }
0x56: {  	_ =	swait.ge [sflag:s0], $0x2800  }
0x57: {  	[sflag:s0] =	ssyncset.done $0x0  }
0x58: {  	[sflag:s0] =	ssyncadd.s32 $0xFFFFD800  }
0x59: {  	[spmem:s28] =	stream.linear.scatter [tilespmem:s17], [sflag:$0x1], $0x2800, $0x38;
	[tilespmem:$0x16880] =	vst v63  }
0x5a: {  	_ =	swait.ge [sflag:s0], $0x2800  }
0x5b: {  	[sflag:s0] =	ssyncset.done $0x0  }
0x5c: {  	s8 =	rddreg [dreg:$0xa];
	[sflag:s0] =	ssyncadd.s32 $0xFFFFD800  }
0x5d: {  	[tilespmem:s17], [sflag:$0x1] =	stream.linear.gather [hbm4b:s8+s1], $0x2800, $0x38;
	[tilespmem:$0x16880] =	vst v63  }
0x5e: {  	_ =	swait.ge [sflag:s0], $0x2800  }
0x5f: {  	[sflag:s0] =	ssyncset.done $0x0  }
0x60: {  	[sflag:s0] =	ssyncadd.s32 $0xFFFFD800  }
0x61: {  	[spmem:s29] =	stream.linear.scatter [tilespmem:s17], [sflag:$0x1], $0x2800, $0x38;
	[tilespmem:$0x16880] =	vst v63  }
0x62: {  	_ =	swait.ge [sflag:s0], $0x2800  }
0x63: {  	[sflag:s0] =	ssyncset.done $0x0  }
0x64: {  	[sflag:s0] =	ssyncadd.s32 $0xFFFFD800  }
0x65: {  	s9 =	sadd.s32 $0x0, s31;
	[bflag:$0x0] =	sbarrier.arrive $0xFFFF  }
0x66: {  	[tilespmem:s2], [sflag:$0x1] =	stream.linear.gather [hbm4b:s9+s1], $0x50, $0x38;
	[tilespmem:$0x16880] =	vst v63  }
0x67: {  	_ =	swait.ge [sflag:s0], $0x50  }
0x68: {  	[sflag:s0] =	ssyncset.done $0x0  }
0x69: {  	[sflag:s0] =	ssyncadd.s32 $0xFFFFFFB0  }
0x6a: {  	[tilespmem:s17], [sflag:$0x1] =	stream.linear.gather [hbm4b:s30+s1], $0x2800, $0x38;
	[tilespmem:$0x16880] =	vst v63  }
0x6b: {  	_ =	swait.ge [sflag:s0], $0x2800  }
0x6c: {  	[sflag:s0] =	ssyncset.done $0x0  }
0x6d: {  	[sflag:s0] =	ssyncadd.s32 $0xFFFFD800  }
0x6e: {  	[spmem:s19] =	stream.indirect.scatter.add.f32 [tilespmem:s17], [sflag:$0x1], $0x80, s2, s3, $0xb8;
	[tilespmem:$0x16880] =	vst v63  }
0x6f: {  	s5 =	sadd.s32 $0x500, s30;
	_ =	swait.ge [sflag:s0], $0x2800  }
0x70: {  	s6 =	simm.s32 $0xA;
	s7 =	simm.s32 $0x14;
	[sflag:s0] =	ssyncset.done $0x0  }
.LBB2_2:
0x71: {  	s8 =	sadd.s32 s6, s31  }
0x72: {  	[sflag:s0] =	ssyncadd.s32 $0xFFFFD800;
	s6 =	smov.u32 s7;
	s9 =	sadd.s32 $0xA, s7  }
0x73: {  	[tilespmem:s2], [sflag:$0x1] =	stream.linear.gather [hbm4b:s8+s1], $0x50, $0x38;
	[tilespmem:$0x16880] =	vst v63  }
0x74: {  	p0 =	sne.s32 s7, $0x4D8;
	_ =	swait.ge [sflag:s0], $0x50  }
0x75: {  	[sflag:s0] =	ssyncset.done $0x0  }
0x76: {  	[sflag:s0] =	ssyncadd.s32 $0xFFFFFFB0  }
0x77: {  	[tilespmem:s17], [sflag:$0x1] =	stream.linear.gather [hbm4b:s5+s1], $0x2800, $0x38;
	[tilespmem:$0x16880] =	vst v63  }
0x78: {  	_ =	swait.ge [sflag:s0], $0x2800  }
.Ltmp0:
0x79: {  	[sflag:s0] =	ssyncset.done $0x0;
	(pc) =	sbr.rel @p0 .LBB2_2-.Ltmp0, $4  }
0x7a: {  	[sflag:s0] =	ssyncadd.s32 $0xFFFFD800  }
0x7b: {  	[spmem:s19] =	stream.indirect.scatter.add.f32 [tilespmem:s17], [sflag:$0x1], $0x80, s2, s3, $0xb8;
	[tilespmem:$0x16880] =	vst v63  }
0x7c: {  	_ =	swait.ge [sflag:s0], $0x2800  }
0x7d: {  	s7 =	smov.u32 s9;
	s5 =	sadd.s32 $0x500, s5;
	[sflag:s0] =	ssyncset.done $0x0  }
0x7e: {  	s6 =	sadd.s32 s6, s31;
	[sflag:s0] =	ssyncadd.s32 $0xFFFFD800  }
0x7f: {  	[tilespmem:s2], [sflag:$0x1] =	stream.linear.gather [hbm4b:s6+s1], $0x50, $0x38;
	[tilespmem:$0x16880] =	vst v63  }
0x80: {  	_ =	swait.ge [sflag:s0], $0x50  }
0x81: {  	[sflag:s0] =	ssyncset.done $0x0  }
0x82: {  	[sflag:s0] =	ssyncadd.s32 $0xFFFFFFB0  }
0x83: {  	[tilespmem:s17], [sflag:$0x1] =	stream.linear.gather [hbm4b:s5+s1], $0x2800, $0x38;
	[tilespmem:$0x16880] =	vst v63  }
0x84: {  	_ =	swait.ge [sflag:s0], $0x2800  }
0x85: {  	[sflag:s0] =	ssyncset.done $0x0  }
0x86: {  	[sflag:s0] =	ssyncadd.s32 $0xFFFFD800  }
0x87: {  	[spmem:s19] =	stream.indirect.scatter.add.f32 [tilespmem:s17], [sflag:$0x1], $0x80, s2, s3, $0xb8;
	[tilespmem:$0x16880] =	vst v63  }
0x88: {  	_ =	swait.ge [sflag:s0], $0x2800  }
0x89: {  	[sflag:s0] =	ssyncset.done $0x0  }
0x8a: {  	[sflag:s0] =	ssyncadd.s32 $0xFFFFD800  }
0x8b: {  	[bflag:$0x0] =	sbarrier.arrive $0xFFFF  }
0x8c: {  	[tilespmem:s17], [sflag:$0x1] =	stream.linear.gather [spmem:s20], $0x2800, $0x38;
	[tilespmem:$0x16880] =	vst v63  }
0x8d: {  	_ =	swait.ge [sflag:s0], $0x2800  }
0x8e: {  	[sflag:s0] =	ssyncset.done $0x0  }
0x8f: {  	[sflag:s0] =	ssyncadd.s32 $0xFFFFD800  }
0x90: {  	[hbm4b:s10+s1] =	stream.linear.scatter [tilespmem:s17], [sflag:$0x1], $0x2800, $0x38;
	[tilespmem:$0x16880] =	vst v63  }
0x91: {  	_ =	swait.ge [sflag:s0], $0x2800  }
0x92: {  	[sflag:s0] =	ssyncset.done $0x0  }
0x93: {  	[sflag:s0] =	ssyncadd.s32 $0xFFFFD800  }
0x94: {  	[tilespmem:s17], [sflag:$0x1] =	stream.linear.gather [spmem:s22], $0x2800, $0x38;
	[tilespmem:$0x16880] =	vst v63  }
0x95: {  	_ =	swait.ge [sflag:s0], $0x2800  }
0x96: {  	[sflag:s0] =	ssyncset.done $0x0  }
0x97: {  	[sflag:s0] =	ssyncadd.s32 $0xFFFFD800  }
0x98: {  	[hbm4b:s11+s1] =	stream.linear.scatter [tilespmem:s17], [sflag:$0x1], $0x2800, $0x38;
	[tilespmem:$0x16880] =	vst v63  }
0x99: {  	_ =	swait.ge [sflag:s0], $0x2800  }
0x9a: {  	[sflag:s0] =	ssyncset.done $0x0  }
0x9b: {  	[sflag:s0] =	ssyncadd.s32 $0xFFFFD800  }
0x9c: {  	[tilespmem:s17], [sflag:$0x1] =	stream.linear.gather [spmem:s23], $0x2800, $0x38;
	[tilespmem:$0x16880] =	vst v63  }
0x9d: {  	_ =	swait.ge [sflag:s0], $0x2800  }
0x9e: {  	[sflag:s0] =	ssyncset.done $0x0  }
0x9f: {  	[sflag:s0] =	ssyncadd.s32 $0xFFFFD800  }
0xa0: {  	[hbm4b:s12+s1] =	stream.linear.scatter [tilespmem:s17], [sflag:$0x1], $0x2800, $0x38;
	[tilespmem:$0x16880] =	vst v63  }
0xa1: {  	_ =	swait.ge [sflag:s0], $0x2800  }
0xa2: {  	[sflag:s0] =	ssyncset.done $0x0  }
0xa3: {  	[sflag:s0] =	ssyncadd.s32 $0xFFFFD800  }
0xa4: {  	[tilespmem:s17], [sflag:$0x1] =	stream.linear.gather [spmem:s24], $0x2800, $0x38;
	[tilespmem:$0x16880] =	vst v63  }
0xa5: {  	_ =	swait.ge [sflag:s0], $0x2800  }
0xa6: {  	[sflag:s0] =	ssyncset.done $0x0  }
0xa7: {  	[sflag:s0] =	ssyncadd.s32 $0xFFFFD800  }
0xa8: {  	[hbm4b:s13+s1] =	stream.linear.scatter [tilespmem:s17], [sflag:$0x1], $0x2800, $0x38;
	[tilespmem:$0x16880] =	vst v63  }
0xa9: {  	_ =	swait.ge [sflag:s0], $0x2800  }
0xaa: {  	[sflag:s0] =	ssyncset.done $0x0  }
0xab: {  	[sflag:s0] =	ssyncadd.s32 $0xFFFFD800  }
0xac: {  	[tilespmem:s17], [sflag:$0x1] =	stream.linear.gather [spmem:s25], $0x2800, $0x38;
	[tilespmem:$0x16880] =	vst v63  }
0xad: {  	_ =	swait.ge [sflag:s0], $0x2800  }
0xae: {  	[sflag:s0] =	ssyncset.done $0x0  }
0xaf: {  	[sflag:s0] =	ssyncadd.s32 $0xFFFFD800  }
0xb0: {  	[hbm4b:s14+s1] =	stream.linear.scatter [tilespmem:s17], [sflag:$0x1], $0x2800, $0x38;
	[tilespmem:$0x16880] =	vst v63  }
0xb1: {  	_ =	swait.ge [sflag:s0], $0x2800  }
0xb2: {  	[sflag:s0] =	ssyncset.done $0x0  }
0xb3: {  	[sflag:s0] =	ssyncadd.s32 $0xFFFFD800  }
0xb4: {  	[tilespmem:s17], [sflag:$0x1] =	stream.linear.gather [spmem:s26], $0x2800, $0x38;
	[tilespmem:$0x16880] =	vst v63  }
0xb5: {  	_ =	swait.ge [sflag:s0], $0x2800  }
0xb6: {  	[sflag:s0] =	ssyncset.done $0x0  }
0xb7: {  	[sflag:s0] =	ssyncadd.s32 $0xFFFFD800  }
0xb8: {  	[hbm4b:s15+s1] =	stream.linear.scatter [tilespmem:s17], [sflag:$0x1], $0x2800, $0x38;
	[tilespmem:$0x16880] =	vst v63  }
0xb9: {  	_ =	swait.ge [sflag:s0], $0x2800  }
0xba: {  	[sflag:s0] =	ssyncset.done $0x0  }
0xbb: {  	[sflag:s0] =	ssyncadd.s32 $0xFFFFD800  }
0xbc: {  	[tilespmem:s17], [sflag:$0x1] =	stream.linear.gather [spmem:s28], $0x2800, $0x38;
	[tilespmem:$0x16880] =	vst v63  }
0xbd: {  	_ =	swait.ge [sflag:s0], $0x2800  }
0xbe: {  	[sflag:s0] =	ssyncset.done $0x0  }
0xbf: {  	[sflag:s0] =	ssyncadd.s32 $0xFFFFD800  }
0xc0: {  	[hbm4b:s16+s1] =	stream.linear.scatter [tilespmem:s17], [sflag:$0x1], $0x2800, $0x38;
	[tilespmem:$0x16880] =	vst v63  }
0xc1: {  	_ =	swait.ge [sflag:s0], $0x2800  }
0xc2: {  	[sflag:s0] =	ssyncset.done $0x0  }
0xc3: {  	[sflag:s0] =	ssyncadd.s32 $0xFFFFD800  }
0xc4: {  	[tilespmem:s17], [sflag:$0x1] =	stream.linear.gather [spmem:s29], $0x2800, $0x38;
	[tilespmem:$0x16880] =	vst v63  }
0xc5: {  	s4 =	sadd.s32 $0x1, s4;
	_ =	swait.ge [sflag:s0], $0x2800  }
0xc6: {  	p0 =	sne.s32 s4, s21;
	[sflag:s0] =	ssyncset.done $0x0  }
.Ltmp1:
0xc7: {  	[sflag:s0] =	ssyncadd.s32 $0xFFFFD800;
	(pc) =	sbr.rel @p0 .LBB2_1-.Ltmp1, $4  }
0xc8: {  	[hbm4b:s18+s1] =	stream.linear.scatter [tilespmem:s17], [sflag:$0x1], $0x2800, $0x38;
	[tilespmem:$0x16880] =	vst v63  }
0xc9: {  	_ =	swait.ge [sflag:s0], $0x2800  }
0xca: {  	[sflag:s0] =	ssyncset.done $0x0  }
0xcb: {  	[sflag:s0] =	ssyncadd.s32 $0xFFFFD800  }
0xcc: {  	_ =	sfence.sel $0x180000  }
0xcd: {  	[bflag:$0x0] =	sbarrier.arrive $0xFFFF  }
0xce: {  	_ =	strace $0x9000004D  }
0xcf: {  	s0 =	stileid.u32;
	[bflag:$0x2] =	sbarrier.arrive $0xFFFF  }
0xd0: {  	p0 =	sne.s32 s0, $0x0;
	s0 =	rddreg [dreg:$0x2]  }
0xd1: {  	s0 =	sadd.s32 @!p0 $0x100000, s0  }
0xd2: {  	[sflag:s0] =	ssyncadd.tile.s32 @!p0 $0x1;
	_ =	shalt  }
.Lfunc_end2:
_tile_overlayer_lowered:
.L_overlay_start_2:
0xd3: {  	(tag) =	ssettag $0x2  }
0xd4: {  	s0 =	rddreg [dreg:$0x0];
	s2 =	stileid.u32  }
0xd5: {  	s1 =	rddreg [dreg:$0x1];
	p0 =	sne.s32 s2, $0x0  }
0xd6: {  	s3 =	rddreg [dreg:$0x2];
	[bflag:$0x3] =	sbarrier.arrive $0xFFFF;
	s2 =	simm.s32 @!p0 $0x1C01  }
0xd7: {  	[timem:s3], [sflag:s2] =	dma.local @!p0 [hbm:s0], s1  }
0xd8: {  	s0 =	simm.s32 @!p0 $0x1  }
0xd9: {  	_ =	swait.ge @!p0 [sflag:s0], s1  }
0xda: {  	s1 =	ssub.s32 @!p0 $0x0, s1;
	[sflag:s0] =	ssyncset.done @!p0 $0x0  }
0xdb: {  	[sflag:s0] =	ssyncadd.s32 @!p0 s1  }
0xdc: {  	[bflag:$0x3] =	sbarrier.arrive $0xFFFF  }
0xdd: {  	_ =	shalt  }

// kernel: kernel.16.cloned.1.call-start
scs
__scs_entry_jumppad:
0x0: {  	(pc) =	sbr.rel $0x88, $3  }
0x1: {  	(tag) =	ssettag $0x0;
	lr =	simm.s32 $0x1  }
0x2: {  	[smem:$0x3F96] =	sst lr;
	_ =	strace $0xD0000000  }
0x3: {  	_ = 	snop  }
0x4: {  	_ = 	snop  }
0x5: {  	_ = 	snop  }
0x6: {  	_ = 	snop  }
0x7: {  	_ = 	snop  }
__scs_overlays_trampoline_lowered:
0x8: {  	[smem:$0x3FA5] =	sst s0  }
0x9: {  	[smem:$0x3FA6] =	sst s1  }
0xa: {  	[smem:$0x3FA7] =	sst s2  }
0xb: {  	[smem:$0x3FA8] =	sst s3  }
0xc: {  	[smem:$0x3FA9] =	sst s4  }
0xd: {  	[smem:$0x3FAA] =	sst s5  }
0xe: {  	[smem:$0x3FAB] =	sst s6  }
0xf: {  	[smem:$0x3FAC] =	sst s7  }
0x10: {  	[smem:$0x3FAD] =	sst s8  }
0x11: {  	[smem:$0x3FAE] =	sst s9;
	s0 =	simm.s32 @!p0 $0x0  }
0x12: {  	s1 =	sld [smem:$0x3F94];
	s0 =	simm.s32 @p0 $0x1  }
0x13: {  	[smem:$0x3FAF] =	sst s0;
	s0 =	simm.s32 @!p1 $0x0  }
0x14: {  	s2 =	sld [smem:$0x3F93];
	s0 =	simm.s32 @p1 $0x1  }
0x15: {  	[smem:$0x3FB0] =	sst s0;
	s0 =	simm.s32 @!p2 $0x0  }
0x16: {  	s3 =	sld [smem:$0x3FDB];
	s0 =	simm.s32 @p2 $0x1  }
0x17: {  	s4 =	simm.s32 $0x1BF5;
	[smem:$0x3FB2] =	sst s0  }
0x18: {  	s0 =	sld [smem:$0x3F95];
	_ =	swait.ge [sflag:s4], $0x0  }
0x19: {  	s7 =	sld [smem:$0x3F96]  }
0x1a: {  	s8 =	sadd.s32 $0xFFFFE003, lr  }
0x1b: {  	s9 =	sadd.s32 $0xFFFFFEF7, lr;
	s5 =	simm.s32 $0xFFFFFFFF;
	p2 =	slt.u32 s8, $0xFFFFF086  }
0x1c: {  	p1 =	slt.u32 s9, $0xF7A;
	s5 =	simm.s32 @!p2 $0x0  }
0x1d: {  	s5 =	simm.s32 @p1 $0x1;
	p0 =	seq.s32 s7, s2  }
0x1e: {  	s7 =	smul.u32 @!p0 $0xF7A, s2;
	p2 =	seq.s32 @!p0 s5, $0x0  }
0x1f: {  	s9 =	smul.u32 $0xF7A, s1;
	s8 =	simm.s32 @!p0 $0x1BF5;
	p2 =	por !p2, p0  }
0x20: {  	[sflag:s8] =	ssyncset.s32 @!p0 $0xFFFFF086;
	s6 =	sadd.s32 @!p0 s3, s7;
	s7 =	simm.s32 @!p0 $0x108  }
0x21: {  	s3 =	sadd.s32 s3, s9;
	s6 =	sadd.s32 @!p0 $0x88, s6;
	s7 =	simm.s32 @p2 $0x1082  }
0x22: {  	[simem:s7], [sflag:s8] =	dma.local @!p0 [hbm:s6], $0xF7A  }
0x23: {  	s9 =	sor.u32 $0xD0000000, s2;
	s6 =	simm.s32 $0x108;
	_ =	swait.ge @!p0 [sflag:s8], $0x0  }
0x24: {  	s3 =	sadd.s32 $0x88, s3;
	s6 =	simm.s32 @!p1 $0x1082;
	[sflag:s4] =	ssyncset.s32 $0xFFFFF086  }
0x25: {  	[simem:s6], [sflag:s4] =	dma.local [hbm:s3], $0xF7A  }
0x26: {  	[smem:$0x3F96] =	sst s1;
	(tag) =	ssettag s2;
	_ =	strace s9  }
0x27: {  	s1 =	sld [smem:$0x3FA6]  }
0x28: {  	s2 =	sld [smem:$0x3FA7]  }
0x29: {  	s4 =	sld [smem:$0x3FA9]  }
0x2a: {  	p0 =	seq.s32 s5, $0x0;
	s5 =	sld [smem:$0x3FAA]  }
0x2b: {  	s6 =	sld [smem:$0x3FAB]  }
0x2c: {  	s7 =	sld [smem:$0x3FAC]  }
0x2d: {  	s3 =	simm.s32 $0x108;
	s8 =	sld [smem:$0x3FAD]  }
0x2e: {  	s3 =	simm.s32 @!p0 $0x1082;
	s9 =	sld [smem:$0x3FAE]  }
0x2f: {  	lr =	sadd.s32 s0, s3;
	s0 =	sld [smem:$0x3FA5]  }
0x30: {  	s3 =	sld [smem:$0x3FA8]  }
0x31: {  	[smem:$0x3FB1] =	sst s10  }
0x32: {  	s10 =	sld [smem:$0x3FAF];
	_ =	sdelay $0x3  }
0x33: {  	p0 =	seq.s32 s10, $0x1;
	s10 =	sld [smem:$0x3FB1];
	_ =	sdelay $0x3  }
0x34: {  	[smem:$0x3FB1] =	sst s10  }
0x35: {  	s10 =	sld [smem:$0x3FB0];
	_ =	sdelay $0x3  }
0x36: {  	p1 =	seq.s32 s10, $0x1;
	s10 =	sld [smem:$0x3FB1];
	_ =	sdelay $0x3  }
0x37: {  	[smem:$0x3FB1] =	sst s10  }
0x38: {  	s10 =	sld [smem:$0x3FB2]  }
0x39: {  	_ = 	snop;
	(pc) =	sbr.ind lr, $3  }
0x3a: {  	_ = 	snop  }
0x3b: {  	_ = 	snop  }
0x3c: {  	p2 =	seq.s32 s10, $0x1;
	s10 =	sld [smem:$0x3FB1]  }
0x3d: {  	_ =	shalt  }
0x3e: {  	_ =	shalt  }
0x3f: {  	_ =	shalt  }
0x40: {  	_ =	shalt  }
0x41: {  	_ =	shalt  }
0x42: {  	_ =	shalt  }
0x43: {  	_ =	shalt  }
0x44: {  	_ =	shalt  }
0x45: {  	_ =	shalt  }
0x46: {  	_ =	shalt  }
0x47: {  	_ =	shalt  }
0x48: {  	_ =	shalt  }
0x49: {  	_ =	shalt  }
0x4a: {  	_ =	shalt  }
0x4b: {  	_ =	shalt  }
0x4c: {  	_ =	shalt  }
0x4d: {  	_ =	shalt  }
0x4e: {  	_ =	shalt  }
0x4f: {  	_ =	shalt  }
0x50: {  	_ =	shalt  }
0x51: {  	_ =	shalt  }
0x52: {  	_ =	shalt  }
0x53: {  	_ =	shalt  }
0x54: {  	_ =	shalt  }
0x55: {  	_ =	shalt  }
0x56: {  	_ =	shalt  }
0x57: {  	_ =	shalt  }
0x58: {  	_ =	shalt  }
0x59: {  	_ =	shalt  }
0x5a: {  	_ =	shalt  }
0x5b: {  	_ =	shalt  }
0x5c: {  	_ =	shalt  }
0x5d: {  	_ =	shalt  }
0x5e: {  	_ =	shalt  }
0x5f: {  	_ =	shalt  }
0x60: {  	_ =	shalt  }
0x61: {  	_ =	shalt  }
0x62: {  	_ =	shalt  }
0x63: {  	_ =	shalt  }
0x64: {  	_ =	shalt  }
0x65: {  	_ =	shalt  }
0x66: {  	_ =	shalt  }
0x67: {  	_ =	shalt  }
0x68: {  	_ =	shalt  }
0x69: {  	_ =	shalt  }
0x6a: {  	_ =	shalt  }
0x6b: {  	_ =	shalt  }
0x6c: {  	_ =	shalt  }
0x6d: {  	_ =	shalt  }
0x6e: {  	_ =	shalt  }
0x6f: {  	_ =	shalt  }
0x70: {  	_ =	shalt  }
0x71: {  	_ =	shalt  }
0x72: {  	_ =	shalt  }
0x73: {  	_ =	shalt  }
0x74: {  	_ =	shalt  }
0x75: {  	_ =	shalt  }
0x76: {  	_ =	shalt  }
0x77: {  	_ =	shalt  }
0x78: {  	_ =	shalt  }
0x79: {  	_ =	shalt  }
0x7a: {  	_ =	shalt  }
0x7b: {  	_ =	shalt  }
0x7c: {  	_ =	shalt  }
0x7d: {  	_ =	shalt  }
0x7e: {  	_ =	shalt  }
0x7f: {  	_ =	shalt  }
0x80: {  	_ =	shalt  }
0x81: {  	_ =	shalt  }
0x82: {  	_ =	shalt  }
0x83: {  	_ =	shalt  }
0x84: {  	_ =	shalt  }
0x85: {  	_ =	shalt  }
0x86: {  	_ =	shalt  }
0x87: {  	_ =	shalt  }
.Lfunc_end0:
.L_simem_size_0:
called_computation.2_lowered:
.L_overlay_start_0:
0x88: {  	s2 =	sld [smem:$0x3FD9]  }
0x89: {  	s3 =	sld [smem:$0x3FFE];
	_ =	sdelay $0x1  }
0x8a: {  	s1 =	srdreg.scid  }
0x8b: {  	s0 =	sand.u32 $0x1, s1  }
0x8c: {  	s16 =	sshll.u32 s0, $0xA;
	s2 =	sadd.s32 s3, s2  }
0x8d: {  	s2 =	sadd.s32 s2, s16  }
0x8e: {  	[smem:$0x3FBD] =	sst s2  }
0x8f: {  	_ = 	snop  }
0x90: {  	(tm) =	ssettm $0x1  }
0x91: {  	s17 =	sld [smem:$0x3FFB];
	_ =	sdelay $0x3  }
0x92: {  	_ =	strace s17  }
0x93: {  	s2 =	sld [smem:$0x3FFC];
	_ =	sdelay $0x3  }
0x94: {  	_ =	strace s2  }
0x95: {  	s2 =	sld [smem:$0x3FFD];
	_ =	sdelay $0x3  }
0x96: {  	_ =	strace s2  }
0x97: {  	_ =	strace $0x8FFFFFFF  }
0x98: {  	s18 =	sld [smem:$0x3FDB];
	_ =	sdelay $0x1  }
0x99: {  	s19 =	simm.s32 $_scs_section_size  }
0x9a: {  	s4 =	simm.s32 $_size__tile_overlayer_lowered;
	s5 =	simm.s32 $_tile_overlayer_lowered  }
0x9b: {  	s22 =	simm.s32 $0x1BFF;
	s21 =	sshll.u32 s5, $0x1;
	s2 =	sadd.s32 s19, s18  }
0x9c: {  	s6 =	simm.s32 $0x0;
	s20 =	sshll.u32 s4, $0x1;
	s4 =	sadd.s32 s21, s2  }
0x9d: {  	[timem:s6], [sflag:s22] =	dma.local [hbm:s4], s20  }
0x9e: {  	_ =	swait.ge [sflag:s22], s20  }
0x9f: {  	s3 =	ssub.s32 $0x0, s20;
	[sflag:s22] =	ssyncset.done $0x0  }
0xa0: {  	[sflag:s22] =	ssyncadd.s32 s3;
	_ =	sdelay $0x1  }
0xa1: {  	s23 =	simm.s32 $0x1B8B  }
0xa2: {  	_ =	swait.ge [sflag:s23], $0x1  }
0xa3: {  	[sflag:s23] =	ssyncset.done $0x0  }
0xa4: {  	s25 =	simm.s32 $0x1B8E;
	s24 =	sld [smem:$0x3FFE];
	[sflag:s23] =	ssyncadd.s32 $0xFFFFFFFF  }
0xa5: {  	s26 =	simm.s32 $execute0_lowered;
	[smem:$0x3FD2] =	sst s25  }
0xa6: {  	s4 =	sshll.u32 s26, $0x1;
	_ =	strace $0x80000049;
	[dreg:$0x1] =	wrdreg $0xFFFFFFFF  }
0xa7: {  	s28 =	simm.s32 $_size_execute0_lowered;
	s2 =	sadd.s32 s2, s4;
	[dreg:$0x0] =	wrdreg $0x0  }
0xa8: {  	s4 =	sshll.u32 s28, $0x1;
	[dreg:$0x2] =	wrdreg s2  }
0xa9: {  	[dreg:$0x3] =	wrdreg s4  }
0xaa: {  	[dreg:$0x4] =	wrdreg $0xC0  }
0xab: {  	_ =	task [dreg:s6], $0x5FFFF  }
0xac: {  	[dreg:$0x1] =	wrdreg $0xFFFFFFFF  }
0xad: {  	[dreg:$0x0] =	wrdreg $0x60  }
0xae: {  	[dreg:$0x2] =	wrdreg s24  }
0xaf: {  	[dreg:$0x3] =	wrdreg $0x0  }
0xb0: {  	[dreg:$0x4] =	wrdreg $0xA  }
0xb1: {  	_ =	task.clear_ibuf [dreg:s6], $0x5FFFF;
	_ =	strace $0x90000049  }
0xb2: {  	s29 =	simm.s32 $0xA;
	_ =	strace $0x8000004B  }
0xb3: {  	_ =	swait.ge [sflag:s29], $0x1  }
0xb4: {  	[sflag:s29] =	ssyncadd.s32 $0xFFFFFFFF  }
0xb5: {  	_ =	strace $0x9000004B  }
0xb6: {  	_ =	sfence  }
0xb7: {  	s30 =	sld [smem:$0x0];
	_ =	sdelay $0x2  }
0xb8: {  	s31 =	sshll.u32 s1, $0xD;
	s1 =	sshrl.u32 s1, $0x2  }
0xb9: {  	s3 =	sand.u32 $0x4000, s31;
	s1 =	sadd.s32 s1, s30  }
0xba: {  	s0 =	sor.u32 s3, s0;
	s1 =	sshll.u32 s1, $0x11  }
0xbb: {  	s0 =	sor.u32 s1, s0  }
0xbc: {  	s0 =	sadd.s32 $0x8F2B, s0  }
0xbd: {  	[sflag:s0] =	ssyncadd.remote.s32 $0x1  }
0xbe: {  	_ =	sfence.sel $0xFFFF  }
0xbf: {  	[dreg:$0x0] =	wrdreg $0xFFFFFFFF;
	(pc) =	sbr.abs _section_cstart, $3  }
0xc0: {  	[dreg:$0x1] =	wrdreg $0xFFFFFFFF  }
0xc1: {  	_ =	task.clear_ibuf [dreg:s6], $0x2FFFF;
	_ =	strace $0x9FFFFFFF  }
0xc2: {  	(tm) =	ssettm $0x7FFFFFFF  }
0xc3: {  	_ =	shalt  }
tec
execute0_lowered:
.L_overlay_start_1:
0x0: {  	(tag) =	ssettag $0x1  }
0x1: {  	s26 =	stileid.u32  }
0x2: {  	s24 =	smul.u32 $0x4E20, s26  }
0x3: {  	s0 =	srdreg.scid;
	s4 =	smul.u32 $0x4E200, s26  }
0x4: {  	s2 =	sand.u32 $0x1, s0;
	s6 =	smul.u32 $0x500, s26  }
0x5: {  	s1 =	smul.u32 $0x2710, s2  }
0x6: {  	s17 =	sor.u32 $0x20, s26;
	s5 =	smul.u32 $0x28000, s2  }
0x7: {  	s20 =	sor.u32 $0x30, s26;
	s12 =	smul.u32 $0x500, s17  }
0x8: {  	s3 =	rddreg [dreg:$0x0];
	s22 =	sor.u32 $0x40, s26;
	s13 =	smul.u32 $0x500, s20  }
0x9: {  	s7 =	sor.u32 $0x10, s26;
	s23 =	sor.u32 $0x50, s26;
	s14 =	smul.u32 $0x500, s22  }
0xa: {  	s9 =	sadd.s32 $0x4ECC00, s3;
	s8 =	ssub.s32 $0x2, s2;
	s15 =	smul.u32 $0x500, s23  }
0xb: {  	s2 =	smul.u32 $0x27100, s2;
	s4 =	sadd.s32 s4, s3;
	s10 =	sshrl.u32 s8, $0x1  }
0xc: {  	s25 =	sadd.s32 s9, s6;
	s0 =	sadd.s32 s1, s24;
	s1 =	simm.s32 $0x0  }
0xd: {  	s21 =	ssub.s32 s8, s10;
	[dreg:$0x3] =	wrdreg s25;
	s24 =	sor.u32 $0x60, s26  }
0xe: {  	s25 =	sor.u32 $0x70, s26;
	s11 =	sadd.s32 s9, s12;
	s18 =	sadd.s32 s9, s13  }
0xf: {  	s19 =	sadd.s32 s9, s14;
	s8 =	smul.u32 $0xA000, s26;
	[smem:$0x7FF] =	sst s1  }
0x10: {  	s2 =	sadd.s32 s2, s4;
	s26 =	smul.u32 $0xA000, s22;
	[dreg:$0x5] =	wrdreg s11  }
0x11: {  	s0 =	sshrl.u32 s0, $0x3;
	s16 =	smul.u32 $0x500, s24;
	[dreg:$0x6] =	wrdreg s18  }
0x12: {  	s18 =	smul.u32 $0x500, s25;
	[dreg:$0x7] =	wrdreg s19;
	s21 =	smax.u32 s21, $0x1  }
0x13: {  	s0 =	sadd.s32 s0, s3;
	s3 =	sadd.s32 s5, s3;
	s5 =	smul.u32 $0x500, s7  }
0x14: {  	s30 =	sadd.s32 $0x1DF3200, s2;
	s2 =	simm.s32 $0x14000;
	s7 =	smul.u32 $0xA000, s7  }
0x15: {  	s3 =	sadd.s32 $0x514C00, s3;
	s11 =	sadd.s32 s9, s16;
	s19 =	sadd.s32 s9, s18  }
0x16: {  	s31 =	sadd.s32 $0xE00, s0;
	s0 =	simm.s32 $0x1;
	[dreg:$0x9] =	wrdreg s11  }
0x17: {  	s10 =	sadd.s32 s9, s5;
	[dreg:$0xa] =	wrdreg s19;
	s11 =	sadd.s32 s3, s5  }
0x18: {  	s12 =	sadd.s32 s3, s12;
	s13 =	sadd.s32 s3, s13;
	s14 =	sadd.s32 s3, s14  }
0x19: {  	s16 =	sadd.s32 s3, s16;
	s18 =	sadd.s32 s3, s18;
	s19 =	rddreg [dreg:$0x1]  }
0x1a: {  	[dreg:$0x4] =	wrdreg s10;
	s10 =	sadd.s32 s9, s15;
	s9 =	smul.u32 $0xA000, s17  }
0x1b: {  	s7 =	sshrl.u32 s7, $0x2;
	s15 =	sadd.s32 s3, s15;
	s17 =	smul.u32 $0xA000, s20  }
0x1c: {  	s22 =	sadd.s32 s7, s19;
	[dreg:$0x8] =	wrdreg s10;
	s10 =	sadd.s32 s3, s6  }
0x1d: {  	s3 =	sshrl.u32 s8, $0x2;
	s8 =	smul.u32 $0xA000, s23;
	_ =	strace $0x8000004A  }
0x1e: {  	s20 =	sadd.s32 s3, s19;
	s4 =	sshrl.u32 s9, $0x2;
	s9 =	smul.u32 $0xA000, s24  }
0x1f: {  	s5 =	sshrl.u32 s17, $0x2;
	s3 =	sshrl.u32 s26, $0x2;
	s17 =	smul.u32 $0xA000, s25  }
0x20: {  	s23 =	sadd.s32 s4, s19;
	s24 =	sadd.s32 s5, s19;
	s25 =	sadd.s32 s3, s19  }
0x21: {  	s8 =	sshrl.u32 s8, $0x2;
	s3 =	simm.s32 $0x50;
	s4 =	simm.s32 $0x0  }
0x22: {  	s26 =	sadd.s32 s8, s19;
	s9 =	sshrl.u32 s9, $0x2;
	s17 =	sshrl.u32 s17, $0x2  }
0x23: {  	s28 =	sadd.s32 s9, s19;
	s29 =	sadd.s32 s17, s19;
	s17 =	simm.s32 $0x14080  }
.LBB2_1:
0x24: {  	s5 =	rddreg [dreg:$0x3]  }
0x25: {  	[tilespmem:s17], [sflag:$0x1] =	stream.linear.gather [hbm4b:s5+s1], $0x2800, $0x38;
	[tilespmem:$0x16880] =	vst v63  }
0x26: {  	_ =	swait.ge [sflag:s0], $0x2800  }
0x27: {  	[sflag:s0] =	ssyncset.done $0x0  }
0x28: {  	[sflag:s0] =	ssyncadd.s32 $0xFFFFD800  }
0x29: {  	[spmem:s20] =	stream.linear.scatter [tilespmem:s17], [sflag:$0x1], $0x2800, $0x38;
	[tilespmem:$0x16880] =	vst v63  }
0x2a: {  	_ =	swait.ge [sflag:s0], $0x2800  }
0x2b: {  	[sflag:s0] =	ssyncset.done $0x0  }
0x2c: {  	s6 =	rddreg [dreg:$0x4];
	[sflag:s0] =	ssyncadd.s32 $0xFFFFD800  }
0x2d: {  	[tilespmem:s17], [sflag:$0x1] =	stream.linear.gather [hbm4b:s6+s1], $0x2800, $0x38;
	[tilespmem:$0x16880] =	vst v63  }
0x2e: {  	_ =	swait.ge [sflag:s0], $0x2800  }
0x2f: {  	[sflag:s0] =	ssyncset.done $0x0  }
0x30: {  	[sflag:s0] =	ssyncadd.s32 $0xFFFFD800  }
0x31: {  	[spmem:s22] =	stream.linear.scatter [tilespmem:s17], [sflag:$0x1], $0x2800, $0x38;
	[tilespmem:$0x16880] =	vst v63  }
0x32: {  	_ =	swait.ge [sflag:s0], $0x2800  }
0x33: {  	[sflag:s0] =	ssyncset.done $0x0  }
0x34: {  	s7 =	rddreg [dreg:$0x5];
	[sflag:s0] =	ssyncadd.s32 $0xFFFFD800  }
0x35: {  	[tilespmem:s17], [sflag:$0x1] =	stream.linear.gather [hbm4b:s7+s1], $0x2800, $0x38;
	[tilespmem:$0x16880] =	vst v63  }
0x36: {  	_ =	swait.ge [sflag:s0], $0x2800  }
0x37: {  	[sflag:s0] =	ssyncset.done $0x0  }
0x38: {  	[sflag:s0] =	ssyncadd.s32 $0xFFFFD800  }
0x39: {  	[spmem:s23] =	stream.linear.scatter [tilespmem:s17], [sflag:$0x1], $0x2800, $0x38;
	[tilespmem:$0x16880] =	vst v63  }
0x3a: {  	_ =	swait.ge [sflag:s0], $0x2800  }
0x3b: {  	[sflag:s0] =	ssyncset.done $0x0  }
0x3c: {  	s8 =	rddreg [dreg:$0x6];
	[sflag:s0] =	ssyncadd.s32 $0xFFFFD800  }
0x3d: {  	[tilespmem:s17], [sflag:$0x1] =	stream.linear.gather [hbm4b:s8+s1], $0x2800, $0x38;
	[tilespmem:$0x16880] =	vst v63  }
0x3e: {  	_ =	swait.ge [sflag:s0], $0x2800  }
0x3f: {  	[sflag:s0] =	ssyncset.done $0x0  }
0x40: {  	[sflag:s0] =	ssyncadd.s32 $0xFFFFD800  }
0x41: {  	[spmem:s24] =	stream.linear.scatter [tilespmem:s17], [sflag:$0x1], $0x2800, $0x38;
	[tilespmem:$0x16880] =	vst v63  }
0x42: {  	_ =	swait.ge [sflag:s0], $0x2800  }
0x43: {  	[sflag:s0] =	ssyncset.done $0x0  }
0x44: {  	s9 =	rddreg [dreg:$0x7];
	[sflag:s0] =	ssyncadd.s32 $0xFFFFD800  }
0x45: {  	[tilespmem:s17], [sflag:$0x1] =	stream.linear.gather [hbm4b:s9+s1], $0x2800, $0x38;
	[tilespmem:$0x16880] =	vst v63  }
0x46: {  	_ =	swait.ge [sflag:s0], $0x2800  }
0x47: {  	[sflag:s0] =	ssyncset.done $0x0  }
0x48: {  	[sflag:s0] =	ssyncadd.s32 $0xFFFFD800  }
0x49: {  	[spmem:s25] =	stream.linear.scatter [tilespmem:s17], [sflag:$0x1], $0x2800, $0x38;
	[tilespmem:$0x16880] =	vst v63  }
0x4a: {  	_ =	swait.ge [sflag:s0], $0x2800  }
0x4b: {  	[sflag:s0] =	ssyncset.done $0x0  }
0x4c: {  	s6 =	rddreg [dreg:$0x8];
	[sflag:s0] =	ssyncadd.s32 $0xFFFFD800  }
0x4d: {  	[tilespmem:s17], [sflag:$0x1] =	stream.linear.gather [hbm4b:s6+s1], $0x2800, $0x38;
	[tilespmem:$0x16880] =	vst v63  }
0x4e: {  	_ =	swait.ge [sflag:s0], $0x2800  }
0x4f: {  	[sflag:s0] =	ssyncset.done $0x0  }
0x50: {  	[sflag:s0] =	ssyncadd.s32 $0xFFFFD800  }
0x51: {  	[spmem:s26] =	stream.linear.scatter [tilespmem:s17], [sflag:$0x1], $0x2800, $0x38;
	[tilespmem:$0x16880] =	vst v63  }
0x52: {  	_ =	swait.ge [sflag:s0], $0x2800  }
0x53: {  	[sflag:s0] =	ssyncset.done $0x0  }
0x54: {  	s7 =	rddreg [dreg:$0x9];
	[sflag:s0] =	ssyncadd.s32 $0xFFFFD800  }
0x55: {  	[tilespmem:s17], [sflag:$0x1] =	stream.linear.gather [hbm4b:s7+s1], $0x2800, $0x38;
	[tilespmem:$0x16880] =	vst v63  }
0x56: {  	_ =	swait.ge [sflag:s0], $0x2800  }
0x57: {  	[sflag:s0] =	ssyncset.done $0x0  }
0x58: {  	[sflag:s0] =	ssyncadd.s32 $0xFFFFD800  }
0x59: {  	[spmem:s28] =	stream.linear.scatter [tilespmem:s17], [sflag:$0x1], $0x2800, $0x38;
	[tilespmem:$0x16880] =	vst v63  }
0x5a: {  	_ =	swait.ge [sflag:s0], $0x2800  }
0x5b: {  	[sflag:s0] =	ssyncset.done $0x0  }
0x5c: {  	s8 =	rddreg [dreg:$0xa];
	[sflag:s0] =	ssyncadd.s32 $0xFFFFD800  }
0x5d: {  	[tilespmem:s17], [sflag:$0x1] =	stream.linear.gather [hbm4b:s8+s1], $0x2800, $0x38;
	[tilespmem:$0x16880] =	vst v63  }
0x5e: {  	_ =	swait.ge [sflag:s0], $0x2800  }
0x5f: {  	[sflag:s0] =	ssyncset.done $0x0  }
0x60: {  	[sflag:s0] =	ssyncadd.s32 $0xFFFFD800  }
0x61: {  	[spmem:s29] =	stream.linear.scatter [tilespmem:s17], [sflag:$0x1], $0x2800, $0x38;
	[tilespmem:$0x16880] =	vst v63  }
0x62: {  	_ =	swait.ge [sflag:s0], $0x2800  }
0x63: {  	[sflag:s0] =	ssyncset.done $0x0  }
0x64: {  	[sflag:s0] =	ssyncadd.s32 $0xFFFFD800  }
0x65: {  	s9 =	sadd.s32 $0x0, s31;
	[bflag:$0x0] =	sbarrier.arrive $0xFFFF  }
0x66: {  	[tilespmem:s2], [sflag:$0x1] =	stream.linear.gather [hbm4b:s9+s1], $0x50, $0x38;
	[tilespmem:$0x16880] =	vst v63  }
0x67: {  	_ =	swait.ge [sflag:s0], $0x50  }
0x68: {  	[sflag:s0] =	ssyncset.done $0x0  }
0x69: {  	[sflag:s0] =	ssyncadd.s32 $0xFFFFFFB0  }
0x6a: {  	[tilespmem:s17], [sflag:$0x1] =	stream.linear.gather [hbm4b:s30+s1], $0x2800, $0x38;
	[tilespmem:$0x16880] =	vst v63  }
0x6b: {  	_ =	swait.ge [sflag:s0], $0x2800  }
0x6c: {  	[sflag:s0] =	ssyncset.done $0x0  }
0x6d: {  	[sflag:s0] =	ssyncadd.s32 $0xFFFFD800  }
0x6e: {  	[spmem:s19] =	stream.indirect.scatter.add.f32 [tilespmem:s17], [sflag:$0x1], $0x80, s2, s3, $0xb8;
	[tilespmem:$0x16880] =	vst v63  }
0x6f: {  	s5 =	sadd.s32 $0x500, s30;
	_ =	swait.ge [sflag:s0], $0x2800  }
0x70: {  	s6 =	simm.s32 $0xA;
	s7 =	simm.s32 $0x14;
	[sflag:s0] =	ssyncset.done $0x0  }
.LBB2_2:
0x71: {  	s8 =	sadd.s32 s6, s31  }
0x72: {  	[sflag:s0] =	ssyncadd.s32 $0xFFFFD800;
	s6 =	smov.u32 s7;
	s9 =	sadd.s32 $0xA, s7  }
0x73: {  	[tilespmem:s2], [sflag:$0x1] =	stream.linear.gather [hbm4b:s8+s1], $0x50, $0x38;
	[tilespmem:$0x16880] =	vst v63  }
0x74: {  	p0 =	sne.s32 s7, $0x4D8;
	_ =	swait.ge [sflag:s0], $0x50  }
0x75: {  	[sflag:s0] =	ssyncset.done $0x0  }
0x76: {  	[sflag:s0] =	ssyncadd.s32 $0xFFFFFFB0  }
0x77: {  	[tilespmem:s17], [sflag:$0x1] =	stream.linear.gather [hbm4b:s5+s1], $0x2800, $0x38;
	[tilespmem:$0x16880] =	vst v63  }
0x78: {  	_ =	swait.ge [sflag:s0], $0x2800  }
.Ltmp0:
0x79: {  	[sflag:s0] =	ssyncset.done $0x0;
	(pc) =	sbr.rel @p0 .LBB2_2-.Ltmp0, $4  }
0x7a: {  	[sflag:s0] =	ssyncadd.s32 $0xFFFFD800  }
0x7b: {  	[spmem:s19] =	stream.indirect.scatter.add.f32 [tilespmem:s17], [sflag:$0x1], $0x80, s2, s3, $0xb8;
	[tilespmem:$0x16880] =	vst v63  }
0x7c: {  	_ =	swait.ge [sflag:s0], $0x2800  }
0x7d: {  	s7 =	smov.u32 s9;
	s5 =	sadd.s32 $0x500, s5;
	[sflag:s0] =	ssyncset.done $0x0  }
0x7e: {  	s6 =	sadd.s32 s6, s31;
	[sflag:s0] =	ssyncadd.s32 $0xFFFFD800  }
0x7f: {  	[tilespmem:s2], [sflag:$0x1] =	stream.linear.gather [hbm4b:s6+s1], $0x50, $0x38;
	[tilespmem:$0x16880] =	vst v63  }
0x80: {  	_ =	swait.ge [sflag:s0], $0x50  }
0x81: {  	[sflag:s0] =	ssyncset.done $0x0  }
0x82: {  	[sflag:s0] =	ssyncadd.s32 $0xFFFFFFB0  }
0x83: {  	[tilespmem:s17], [sflag:$0x1] =	stream.linear.gather [hbm4b:s5+s1], $0x2800, $0x38;
	[tilespmem:$0x16880] =	vst v63  }
0x84: {  	_ =	swait.ge [sflag:s0], $0x2800  }
0x85: {  	[sflag:s0] =	ssyncset.done $0x0  }
0x86: {  	[sflag:s0] =	ssyncadd.s32 $0xFFFFD800  }
0x87: {  	[spmem:s19] =	stream.indirect.scatter.add.f32 [tilespmem:s17], [sflag:$0x1], $0x80, s2, s3, $0xb8;
	[tilespmem:$0x16880] =	vst v63  }
0x88: {  	_ =	swait.ge [sflag:s0], $0x2800  }
0x89: {  	[sflag:s0] =	ssyncset.done $0x0  }
0x8a: {  	[sflag:s0] =	ssyncadd.s32 $0xFFFFD800  }
0x8b: {  	[bflag:$0x0] =	sbarrier.arrive $0xFFFF  }
0x8c: {  	[tilespmem:s17], [sflag:$0x1] =	stream.linear.gather [spmem:s20], $0x2800, $0x38;
	[tilespmem:$0x16880] =	vst v63  }
0x8d: {  	_ =	swait.ge [sflag:s0], $0x2800  }
0x8e: {  	[sflag:s0] =	ssyncset.done $0x0  }
0x8f: {  	[sflag:s0] =	ssyncadd.s32 $0xFFFFD800  }
0x90: {  	[hbm4b:s10+s1] =	stream.linear.scatter [tilespmem:s17], [sflag:$0x1], $0x2800, $0x38;
	[tilespmem:$0x16880] =	vst v63  }
0x91: {  	_ =	swait.ge [sflag:s0], $0x2800  }
0x92: {  	[sflag:s0] =	ssyncset.done $0x0  }
0x93: {  	[sflag:s0] =	ssyncadd.s32 $0xFFFFD800  }
0x94: {  	[tilespmem:s17], [sflag:$0x1] =	stream.linear.gather [spmem:s22], $0x2800, $0x38;
	[tilespmem:$0x16880] =	vst v63  }
0x95: {  	_ =	swait.ge [sflag:s0], $0x2800  }
0x96: {  	[sflag:s0] =	ssyncset.done $0x0  }
0x97: {  	[sflag:s0] =	ssyncadd.s32 $0xFFFFD800  }
0x98: {  	[hbm4b:s11+s1] =	stream.linear.scatter [tilespmem:s17], [sflag:$0x1], $0x2800, $0x38;
	[tilespmem:$0x16880] =	vst v63  }
0x99: {  	_ =	swait.ge [sflag:s0], $0x2800  }
0x9a: {  	[sflag:s0] =	ssyncset.done $0x0  }
0x9b: {  	[sflag:s0] =	ssyncadd.s32 $0xFFFFD800  }
0x9c: {  	[tilespmem:s17], [sflag:$0x1] =	stream.linear.gather [spmem:s23], $0x2800, $0x38;
	[tilespmem:$0x16880] =	vst v63  }
0x9d: {  	_ =	swait.ge [sflag:s0], $0x2800  }
0x9e: {  	[sflag:s0] =	ssyncset.done $0x0  }
0x9f: {  	[sflag:s0] =	ssyncadd.s32 $0xFFFFD800  }
0xa0: {  	[hbm4b:s12+s1] =	stream.linear.scatter [tilespmem:s17], [sflag:$0x1], $0x2800, $0x38;
	[tilespmem:$0x16880] =	vst v63  }
0xa1: {  	_ =	swait.ge [sflag:s0], $0x2800  }
0xa2: {  	[sflag:s0] =	ssyncset.done $0x0  }
0xa3: {  	[sflag:s0] =	ssyncadd.s32 $0xFFFFD800  }
0xa4: {  	[tilespmem:s17], [sflag:$0x1] =	stream.linear.gather [spmem:s24], $0x2800, $0x38;
	[tilespmem:$0x16880] =	vst v63  }
0xa5: {  	_ =	swait.ge [sflag:s0], $0x2800  }
0xa6: {  	[sflag:s0] =	ssyncset.done $0x0  }
0xa7: {  	[sflag:s0] =	ssyncadd.s32 $0xFFFFD800  }
0xa8: {  	[hbm4b:s13+s1] =	stream.linear.scatter [tilespmem:s17], [sflag:$0x1], $0x2800, $0x38;
	[tilespmem:$0x16880] =	vst v63  }
0xa9: {  	_ =	swait.ge [sflag:s0], $0x2800  }
0xaa: {  	[sflag:s0] =	ssyncset.done $0x0  }
0xab: {  	[sflag:s0] =	ssyncadd.s32 $0xFFFFD800  }
0xac: {  	[tilespmem:s17], [sflag:$0x1] =	stream.linear.gather [spmem:s25], $0x2800, $0x38;
	[tilespmem:$0x16880] =	vst v63  }
0xad: {  	_ =	swait.ge [sflag:s0], $0x2800  }
0xae: {  	[sflag:s0] =	ssyncset.done $0x0  }
0xaf: {  	[sflag:s0] =	ssyncadd.s32 $0xFFFFD800  }
0xb0: {  	[hbm4b:s14+s1] =	stream.linear.scatter [tilespmem:s17], [sflag:$0x1], $0x2800, $0x38;
	[tilespmem:$0x16880] =	vst v63  }
0xb1: {  	_ =	swait.ge [sflag:s0], $0x2800  }
0xb2: {  	[sflag:s0] =	ssyncset.done $0x0  }
0xb3: {  	[sflag:s0] =	ssyncadd.s32 $0xFFFFD800  }
0xb4: {  	[tilespmem:s17], [sflag:$0x1] =	stream.linear.gather [spmem:s26], $0x2800, $0x38;
	[tilespmem:$0x16880] =	vst v63  }
0xb5: {  	_ =	swait.ge [sflag:s0], $0x2800  }
0xb6: {  	[sflag:s0] =	ssyncset.done $0x0  }
0xb7: {  	[sflag:s0] =	ssyncadd.s32 $0xFFFFD800  }
0xb8: {  	[hbm4b:s15+s1] =	stream.linear.scatter [tilespmem:s17], [sflag:$0x1], $0x2800, $0x38;
	[tilespmem:$0x16880] =	vst v63  }
0xb9: {  	_ =	swait.ge [sflag:s0], $0x2800  }
0xba: {  	[sflag:s0] =	ssyncset.done $0x0  }
0xbb: {  	[sflag:s0] =	ssyncadd.s32 $0xFFFFD800  }
0xbc: {  	[tilespmem:s17], [sflag:$0x1] =	stream.linear.gather [spmem:s28], $0x2800, $0x38;
	[tilespmem:$0x16880] =	vst v63  }
0xbd: {  	_ =	swait.ge [sflag:s0], $0x2800  }
0xbe: {  	[sflag:s0] =	ssyncset.done $0x0  }
0xbf: {  	[sflag:s0] =	ssyncadd.s32 $0xFFFFD800  }
0xc0: {  	[hbm4b:s16+s1] =	stream.linear.scatter [tilespmem:s17], [sflag:$0x1], $0x2800, $0x38;
	[tilespmem:$0x16880] =	vst v63  }
0xc1: {  	_ =	swait.ge [sflag:s0], $0x2800  }
0xc2: {  	[sflag:s0] =	ssyncset.done $0x0  }
0xc3: {  	[sflag:s0] =	ssyncadd.s32 $0xFFFFD800  }
0xc4: {  	[tilespmem:s17], [sflag:$0x1] =	stream.linear.gather [spmem:s29], $0x2800, $0x38;
	[tilespmem:$0x16880] =	vst v63  }
0xc5: {  	s4 =	sadd.s32 $0x1, s4;
	_ =	swait.ge [sflag:s0], $0x2800  }
0xc6: {  	p0 =	sne.s32 s4, s21;
	[sflag:s0] =	ssyncset.done $0x0  }
.Ltmp1:
0xc7: {  	[sflag:s0] =	ssyncadd.s32 $0xFFFFD800;
	(pc) =	sbr.rel @p0 .LBB2_1-.Ltmp1, $4  }
0xc8: {  	[hbm4b:s18+s1] =	stream.linear.scatter [tilespmem:s17], [sflag:$0x1], $0x2800, $0x38;
	[tilespmem:$0x16880] =	vst v63  }
0xc9: {  	_ =	swait.ge [sflag:s0], $0x2800  }
0xca: {  	[sflag:s0] =	ssyncset.done $0x0  }
0xcb: {  	[sflag:s0] =	ssyncadd.s32 $0xFFFFD800  }
0xcc: {  	_ =	sfence.sel $0x180000  }
0xcd: {  	[bflag:$0x0] =	sbarrier.arrive $0xFFFF  }
0xce: {  	_ =	strace $0x9000004A  }
0xcf: {  	s0 =	stileid.u32;
	[bflag:$0x2] =	sbarrier.arrive $0xFFFF  }
0xd0: {  	p0 =	sne.s32 s0, $0x0;
	s0 =	rddreg [dreg:$0x2]  }
0xd1: {  	s0 =	sadd.s32 @!p0 $0x100000, s0  }
0xd2: {  	[sflag:s0] =	ssyncadd.tile.s32 @!p0 $0x1;
	_ =	shalt  }
.Lfunc_end2:
_tile_overlayer_lowered:
.L_overlay_start_2:
0xd3: {  	(tag) =	ssettag $0x2  }
0xd4: {  	s0 =	rddreg [dreg:$0x0];
	s2 =	stileid.u32  }
0xd5: {  	s1 =	rddreg [dreg:$0x1];
	p0 =	sne.s32 s2, $0x0  }
0xd6: {  	s3 =	rddreg [dreg:$0x2];
	[bflag:$0x3] =	sbarrier.arrive $0xFFFF;
	s2 =	simm.s32 @!p0 $0x1C01  }
0xd7: {  	[timem:s3], [sflag:s2] =	dma.local @!p0 [hbm:s0], s1  }
0xd8: {  	s0 =	simm.s32 @!p0 $0x1  }
0xd9: {  	_ =	swait.ge @!p0 [sflag:s0], s1  }
0xda: {  	s1 =	ssub.s32 @!p0 $0x0, s1;
	[sflag:s0] =	ssyncset.done @!p0 $0x0  }
0xdb: {  	[sflag:s0] =	ssyncadd.s32 @!p0 s1  }
0xdc: {  	[bflag:$0x3] =	sbarrier.arrive $0xFFFF  }
0xdd: {  	_ =	shalt  }

// kernel: kernel.19.cloned.1.call-start
scs
__scs_entry_jumppad:
0x0: {  	(pc) =	sbr.rel $0x88, $3  }
0x1: {  	(tag) =	ssettag $0x0;
	lr =	simm.s32 $0x1  }
0x2: {  	[smem:$0x3F96] =	sst lr;
	_ =	strace $0xD0000000  }
0x3: {  	_ = 	snop  }
0x4: {  	_ = 	snop  }
0x5: {  	_ = 	snop  }
0x6: {  	_ = 	snop  }
0x7: {  	_ = 	snop  }
__scs_overlays_trampoline_lowered:
0x8: {  	[smem:$0x3FA5] =	sst s0  }
0x9: {  	[smem:$0x3FA6] =	sst s1  }
0xa: {  	[smem:$0x3FA7] =	sst s2  }
0xb: {  	[smem:$0x3FA8] =	sst s3  }
0xc: {  	[smem:$0x3FA9] =	sst s4  }
0xd: {  	[smem:$0x3FAA] =	sst s5  }
0xe: {  	[smem:$0x3FAB] =	sst s6  }
0xf: {  	[smem:$0x3FAC] =	sst s7  }
0x10: {  	[smem:$0x3FAD] =	sst s8  }
0x11: {  	[smem:$0x3FAE] =	sst s9;
	s0 =	simm.s32 @!p0 $0x0  }
0x12: {  	s1 =	sld [smem:$0x3F94];
	s0 =	simm.s32 @p0 $0x1  }
0x13: {  	[smem:$0x3FAF] =	sst s0;
	s0 =	simm.s32 @!p1 $0x0  }
0x14: {  	s2 =	sld [smem:$0x3F93];
	s0 =	simm.s32 @p1 $0x1  }
0x15: {  	[smem:$0x3FB0] =	sst s0;
	s0 =	simm.s32 @!p2 $0x0  }
0x16: {  	s3 =	sld [smem:$0x3FDB];
	s0 =	simm.s32 @p2 $0x1  }
0x17: {  	s4 =	simm.s32 $0x1BF5;
	[smem:$0x3FB2] =	sst s0  }
0x18: {  	s0 =	sld [smem:$0x3F95];
	_ =	swait.ge [sflag:s4], $0x0  }
0x19: {  	s7 =	sld [smem:$0x3F96]  }
0x1a: {  	s8 =	sadd.s32 $0xFFFFE003, lr  }
0x1b: {  	s9 =	sadd.s32 $0xFFFFFEF7, lr;
	s5 =	simm.s32 $0xFFFFFFFF;
	p2 =	slt.u32 s8, $0xFFFFF086  }
0x1c: {  	p1 =	slt.u32 s9, $0xF7A;
	s5 =	simm.s32 @!p2 $0x0  }
0x1d: {  	s5 =	simm.s32 @p1 $0x1;
	p0 =	seq.s32 s7, s2  }
0x1e: {  	s7 =	smul.u32 @!p0 $0xF7A, s2;
	p2 =	seq.s32 @!p0 s5, $0x0  }
0x1f: {  	s9 =	smul.u32 $0xF7A, s1;
	s8 =	simm.s32 @!p0 $0x1BF5;
	p2 =	por !p2, p0  }
0x20: {  	[sflag:s8] =	ssyncset.s32 @!p0 $0xFFFFF086;
	s6 =	sadd.s32 @!p0 s3, s7;
	s7 =	simm.s32 @!p0 $0x108  }
0x21: {  	s3 =	sadd.s32 s3, s9;
	s6 =	sadd.s32 @!p0 $0x88, s6;
	s7 =	simm.s32 @p2 $0x1082  }
0x22: {  	[simem:s7], [sflag:s8] =	dma.local @!p0 [hbm:s6], $0xF7A  }
0x23: {  	s9 =	sor.u32 $0xD0000000, s2;
	s6 =	simm.s32 $0x108;
	_ =	swait.ge @!p0 [sflag:s8], $0x0  }
0x24: {  	s3 =	sadd.s32 $0x88, s3;
	s6 =	simm.s32 @!p1 $0x1082;
	[sflag:s4] =	ssyncset.s32 $0xFFFFF086  }
0x25: {  	[simem:s6], [sflag:s4] =	dma.local [hbm:s3], $0xF7A  }
0x26: {  	[smem:$0x3F96] =	sst s1;
	(tag) =	ssettag s2;
	_ =	strace s9  }
0x27: {  	s1 =	sld [smem:$0x3FA6]  }
0x28: {  	s2 =	sld [smem:$0x3FA7]  }
0x29: {  	s4 =	sld [smem:$0x3FA9]  }
0x2a: {  	p0 =	seq.s32 s5, $0x0;
	s5 =	sld [smem:$0x3FAA]  }
0x2b: {  	s6 =	sld [smem:$0x3FAB]  }
0x2c: {  	s7 =	sld [smem:$0x3FAC]  }
0x2d: {  	s3 =	simm.s32 $0x108;
	s8 =	sld [smem:$0x3FAD]  }
0x2e: {  	s3 =	simm.s32 @!p0 $0x1082;
	s9 =	sld [smem:$0x3FAE]  }
0x2f: {  	lr =	sadd.s32 s0, s3;
	s0 =	sld [smem:$0x3FA5]  }
0x30: {  	s3 =	sld [smem:$0x3FA8]  }
0x31: {  	[smem:$0x3FB1] =	sst s10  }
0x32: {  	s10 =	sld [smem:$0x3FAF];
	_ =	sdelay $0x3  }
0x33: {  	p0 =	seq.s32 s10, $0x1;
	s10 =	sld [smem:$0x3FB1];
	_ =	sdelay $0x3  }
0x34: {  	[smem:$0x3FB1] =	sst s10  }
0x35: {  	s10 =	sld [smem:$0x3FB0];
	_ =	sdelay $0x3  }
0x36: {  	p1 =	seq.s32 s10, $0x1;
	s10 =	sld [smem:$0x3FB1];
	_ =	sdelay $0x3  }
0x37: {  	[smem:$0x3FB1] =	sst s10  }
0x38: {  	s10 =	sld [smem:$0x3FB2]  }
0x39: {  	_ = 	snop;
	(pc) =	sbr.ind lr, $3  }
0x3a: {  	_ = 	snop  }
0x3b: {  	_ = 	snop  }
0x3c: {  	p2 =	seq.s32 s10, $0x1;
	s10 =	sld [smem:$0x3FB1]  }
0x3d: {  	_ =	shalt  }
0x3e: {  	_ =	shalt  }
0x3f: {  	_ =	shalt  }
0x40: {  	_ =	shalt  }
0x41: {  	_ =	shalt  }
0x42: {  	_ =	shalt  }
0x43: {  	_ =	shalt  }
0x44: {  	_ =	shalt  }
0x45: {  	_ =	shalt  }
0x46: {  	_ =	shalt  }
0x47: {  	_ =	shalt  }
0x48: {  	_ =	shalt  }
0x49: {  	_ =	shalt  }
0x4a: {  	_ =	shalt  }
0x4b: {  	_ =	shalt  }
0x4c: {  	_ =	shalt  }
0x4d: {  	_ =	shalt  }
0x4e: {  	_ =	shalt  }
0x4f: {  	_ =	shalt  }
0x50: {  	_ =	shalt  }
0x51: {  	_ =	shalt  }
0x52: {  	_ =	shalt  }
0x53: {  	_ =	shalt  }
0x54: {  	_ =	shalt  }
0x55: {  	_ =	shalt  }
0x56: {  	_ =	shalt  }
0x57: {  	_ =	shalt  }
0x58: {  	_ =	shalt  }
0x59: {  	_ =	shalt  }
0x5a: {  	_ =	shalt  }
0x5b: {  	_ =	shalt  }
0x5c: {  	_ =	shalt  }
0x5d: {  	_ =	shalt  }
0x5e: {  	_ =	shalt  }
0x5f: {  	_ =	shalt  }
0x60: {  	_ =	shalt  }
0x61: {  	_ =	shalt  }
0x62: {  	_ =	shalt  }
0x63: {  	_ =	shalt  }
0x64: {  	_ =	shalt  }
0x65: {  	_ =	shalt  }
0x66: {  	_ =	shalt  }
0x67: {  	_ =	shalt  }
0x68: {  	_ =	shalt  }
0x69: {  	_ =	shalt  }
0x6a: {  	_ =	shalt  }
0x6b: {  	_ =	shalt  }
0x6c: {  	_ =	shalt  }
0x6d: {  	_ =	shalt  }
0x6e: {  	_ =	shalt  }
0x6f: {  	_ =	shalt  }
0x70: {  	_ =	shalt  }
0x71: {  	_ =	shalt  }
0x72: {  	_ =	shalt  }
0x73: {  	_ =	shalt  }
0x74: {  	_ =	shalt  }
0x75: {  	_ =	shalt  }
0x76: {  	_ =	shalt  }
0x77: {  	_ =	shalt  }
0x78: {  	_ =	shalt  }
0x79: {  	_ =	shalt  }
0x7a: {  	_ =	shalt  }
0x7b: {  	_ =	shalt  }
0x7c: {  	_ =	shalt  }
0x7d: {  	_ =	shalt  }
0x7e: {  	_ =	shalt  }
0x7f: {  	_ =	shalt  }
0x80: {  	_ =	shalt  }
0x81: {  	_ =	shalt  }
0x82: {  	_ =	shalt  }
0x83: {  	_ =	shalt  }
0x84: {  	_ =	shalt  }
0x85: {  	_ =	shalt  }
0x86: {  	_ =	shalt  }
0x87: {  	_ =	shalt  }
.Lfunc_end0:
.L_simem_size_0:
called_computation.3_lowered:
.L_overlay_start_0:
0x88: {  	s2 =	sld [smem:$0x3FD9]  }
0x89: {  	s3 =	sld [smem:$0x3FFE];
	_ =	sdelay $0x1  }
0x8a: {  	s1 =	srdreg.scid  }
0x8b: {  	s0 =	sand.u32 $0x1, s1  }
0x8c: {  	s15 =	sshll.u32 s0, $0xA;
	s2 =	sadd.s32 s3, s2  }
0x8d: {  	s2 =	sadd.s32 s2, s15  }
0x8e: {  	[smem:$0x3FBD] =	sst s2  }
0x8f: {  	_ = 	snop  }
0x90: {  	s2 =	sld [smem:$0x3FD0];
	_ =	sdelay $0x2  }
0x91: {  	s16 =	simm.s32 $0xB;
	s4 =	simm.s32 $0x10  }
0x92: {  	[smem:s4], [sflag:s16] =	dma.local [hbm:s2], $0x1  }
0x93: {  	_ =	swait.eq [sflag:s16], $0x1  }
0x94: {  	[sflag:s16] =	ssyncset.done $0x0  }
0x95: {  	[sflag:s16] =	ssyncadd.s32 $0xFFFFFFFF  }
0x96: {  	s17 =	sld [smem:$0x12];
	(tm) =	ssettm $0x1  }
0x97: {  	s18 =	sld [smem:$0x3FFB];
	_ =	sdelay $0x3  }
0x98: {  	_ =	strace s18  }
0x99: {  	s2 =	sld [smem:$0x3FFC];
	_ =	sdelay $0x3  }
0x9a: {  	_ =	strace s2  }
0x9b: {  	s2 =	sld [smem:$0x3FFD];
	_ =	sdelay $0x3  }
0x9c: {  	_ =	strace s2  }
0x9d: {  	_ =	strace $0x8FFFFFFF  }
0x9e: {  	s19 =	sld [smem:$0x3FDB];
	_ =	sdelay $0x1  }
0x9f: {  	s20 =	simm.s32 $_scs_section_size  }
0xa0: {  	s5 =	simm.s32 $_size__tile_overlayer_lowered;
	s6 =	simm.s32 $_tile_overlayer_lowered  }
0xa1: {  	s7 =	simm.s32 $0x1BFF;
	s21 =	sshll.u32 s6, $0x1;
	s4 =	sadd.s32 s20, s19  }
0xa2: {  	s22 =	simm.s32 $0x0;
	s5 =	sshll.u32 s5, $0x1;
	s6 =	sadd.s32 s21, s4  }
0xa3: {  	[timem:s22], [sflag:s7] =	dma.local [hbm:s6], s5  }
0xa4: {  	_ =	swait.ge [sflag:s7], s5  }
0xa5: {  	s5 =	ssub.s32 $0x0, s5;
	[sflag:s7] =	ssyncset.done $0x0  }
0xa6: {  	[sflag:s7] =	ssyncadd.s32 s5;
	_ =	sdelay $0x1  }
0xa7: {  	s23 =	simm.s32 $0x1B8B  }
0xa8: {  	_ =	swait.ge [sflag:s23], $0x1  }
0xa9: {  	[sflag:s23] =	ssyncset.done $0x0  }
0xaa: {  	[sflag:s23] =	ssyncadd.s32 $0xFFFFFFFF  }
0xab: {  	s5 =	sld [smem:$0x0]  }
0xac: {  	s6 =	sand.u32 $0xFFFFFFFE, s1  }
0xad: {  	p0 =	sne.s32 s1, s6  }
0xae: {  	s6 =	sshll.u32 @p0 s6, $0xE  }
0xaf: {  	s6 =	sadd.s32 @p0 $0x11B8D, s6;
	s7 =	sshll.u32 @p0 s5, $0x11  }
0xb0: {  	s6 =	sor.u32 @p0 s7, s6  }
0xb1: {  	[sflag:s6] =	ssyncadd.remote.s32 @p0 $0x1;
	_ =	sdelay $0x1  }
0xb2: {  	s6 =	simm.s32 @p0 $0x1B8D  }
0xb3: {  	_ =	swait.eq @p0 [sflag:s6], $0x1  }
0xb4: {  	[sflag:s6] =	ssyncadd.s32 @p0 $0xFFFFFFFF  }
0xb5: {  	s7 =	sshll.u32 @!p0 s1, $0xE  }
0xb6: {  	s7 =	sor.u32 @!p0 $0x4000, s7;
	s6 =	simm.s32 @!p0 $0x1B8D  }
0xb7: {  	s5 =	sshll.u32 @!p0 s5, $0x11;
	s7 =	sadd.s32 @!p0 $0x11B8D, s7;
	_ =	swait.eq @!p0 [sflag:s6], $0x1  }
0xb8: {  	s5 =	sor.u32 @!p0 s5, s7;
	[sflag:s6] =	ssyncadd.s32 @!p0 $0xFFFFFFFF  }
0xb9: {  	s25 =	simm.s32 $0x1B8E;
	s24 =	sld [smem:$0x3FFE];
	[sflag:s5] =	ssyncadd.remote.s32 @!p0 $0x1  }
0xba: {  	s26 =	simm.s32 $execute0_lowered;
	[smem:$0x3FD2] =	sst s25  }
0xbb: {  	s6 =	sshll.u32 s26, $0x1;
	_ =	strace $0x8000004F;
	[dreg:$0x1] =	wrdreg $0xFFFFFFFF  }
0xbc: {  	s28 =	simm.s32 $_size_execute0_lowered;
	s4 =	sadd.s32 s4, s6;
	[dreg:$0x0] =	wrdreg $0x0  }
0xbd: {  	s6 =	sshll.u32 s28, $0x1;
	[dreg:$0x2] =	wrdreg s4  }
0xbe: {  	[dreg:$0x3] =	wrdreg s6  }
0xbf: {  	[dreg:$0x4] =	wrdreg $0xC0  }
0xc0: {  	_ =	task [dreg:s22], $0x5FFFF  }
0xc1: {  	[dreg:$0x1] =	wrdreg $0xFFFFFFFF  }
0xc2: {  	[dreg:$0x0] =	wrdreg $0x60  }
0xc3: {  	[dreg:$0x2] =	wrdreg s24  }
0xc4: {  	[dreg:$0x3] =	wrdreg s17  }
0xc5: {  	[dreg:$0x4] =	wrdreg $0xA  }
0xc6: {  	_ =	task.clear_ibuf [dreg:s22], $0x5FFFF;
	_ =	strace $0x9000004F  }
0xc7: {  	s29 =	simm.s32 $0xA;
	_ =	strace $0x80000051  }
0xc8: {  	_ =	swait.ge [sflag:s29], $0x1  }
0xc9: {  	[sflag:s29] =	ssyncadd.s32 $0xFFFFFFFF  }
0xca: {  	_ =	strace $0x90000051  }
0xcb: {  	_ =	sfence  }
0xcc: {  	s30 =	sld [smem:$0x0];
	_ =	sdelay $0x2  }
0xcd: {  	s31 =	sshll.u32 s1, $0xD;
	s1 =	sshrl.u32 s1, $0x2  }
0xce: {  	s4 =	sand.u32 $0x4000, s31;
	s1 =	sadd.s32 s1, s30  }
0xcf: {  	s0 =	sor.u32 s4, s0;
	s1 =	sshll.u32 s1, $0x11  }
0xd0: {  	s0 =	sor.u32 s1, s0  }
0xd1: {  	s0 =	sadd.s32 $0x8F2B, s0  }
0xd2: {  	[sflag:s0] =	ssyncadd.remote.s32 $0x1  }
0xd3: {  	_ =	sfence.sel $0xFFFF  }
0xd4: {  	[dreg:$0x0] =	wrdreg $0xFFFFFFFF;
	(pc) =	sbr.abs _section_cstart, $3  }
0xd5: {  	[dreg:$0x1] =	wrdreg $0xFFFFFFFF  }
0xd6: {  	_ =	task.clear_ibuf [dreg:s22], $0x2FFFF;
	_ =	strace $0x9FFFFFFF  }
0xd7: {  	(tm) =	ssettm $0x7FFFFFFF  }
tec
execute0_lowered:
.L_overlay_start_1:
0x0: {  	(tag) =	ssettag $0x1  }
0x1: {  	s6 =	rddreg [dreg:$0x0]  }
0x2: {  	s1 =	rddreg [dreg:$0x1]  }
0x3: {  	s0 =	rddreg [dreg:$0x2];
	s2 =	simm.s32 $0x0;
	s3 =	srdreg.scid  }
0x4: {  	s11 =	simm.s32 $0xF180;
	s12 =	simm.s32 $0x0;
	[smem:$0x7FF] =	sst s2  }
0x5: {  	s7 =	sand.u32 $0x1, s3;
	s4 =	sadd.s32 $0xE00, s6;
	s3 =	stileid.u32  }
0x6: {  	s5 =	sadd.s32 $0x1DF3200, s6;
	s6 =	sadd.s32 $0x5B4C00, s6;
	s8 =	ssub.s32 $0x2, s7  }
0x7: {  	_ =	strace $0x80000050;
	s10 =	sshll.u32 s3, $0x1;
	s9 =	sshrl.u32 s8, $0x1  }
0x8: {  	v0 =	vlaneseq.u32;
	s7 =	sor.u32 s7, s10;
	s10 =	simm.s32 $0x2980;
	s8 =	ssub.s32 s8, s9  }
0x9: {  	v0 =	vmul.u32 $0x80, v0;
	s7 =	smul.u32 $0x2710, s7;
	s9 =	simm.s32 $0x1;
	s8 =	smax.u32 s8, $0x1  }
.LBB2_1:
0xa: {  	[tilespmem:s2], [sflag:$0x1] =	stream.linear.gather [hbm4b:s6+s2], $0x2780, $0x38;
	[tilespmem:$0xF380] =	vst v63  }
0xb: {  	_ =	swait.ge [sflag:s9], $0x2780  }
0xc: {  	[sflag:s9] =	ssyncset.done $0x0  }
0xd: {  	s13 =	simm.s32 $0x0;
	[sflag:s9] =	ssyncadd.s32 $0xFFFFD880  }
.LBB2_2:
0xe: {  	s14 =	smul.u32 $0x190, s13;
	_ =	sdelay $0x1  }
0xf: {  	s15 =	sadd.s32 s7, s14  }
0x10: {  	s14 =	sshrl.u32 s15, $0x3  }
0x11: {  	s17 =	simm.s32 $0x0;
	s18 =	simm.s32 $0x2780;
	s16 =	sadd.s32 s4, s14  }
0x12: {  	[tilespmem:s18], [sflag:$0x1] =	stream.linear.gather [hbm4b:s16+s17], $0x190, $0x38;
	[tilespmem:$0xF380] =	vst v63  }
0x13: {  	_ =	swait.ge [sflag:s9], $0x190  }
0x14: {  	s15 =	sshll.u32 s15, $0x4;
	[sflag:s9] =	ssyncset.done $0x0  }
0x15: {  	s15 =	sadd.s32 s5, s15;
	[sflag:s9] =	ssyncadd.s32 $0xFFFFFE70  }
0x16: {  	[tilespmem:s10], [sflag:$0x1] =	stream.linear.gather [hbm4b:s15+s17], $0xC800, $0x38;
	[tilespmem:$0xF380] =	vst v63  }
0x17: {  	_ =	swait.ge [sflag:s9], $0xC800  }
0x18: {  	[sflag:s9] =	ssyncset.done $0x0  }
0x19: {  	[sflag:s9] =	ssyncadd.s32 $0xFFFF3800  }
0x1a: {  	v1 =	vld [tilespmem:s18+$0x0];
	_ =	sdelay $0x7  }
0x1b: {  	v1 =	vld.idx.msk [tilespmem:v1+s2+$0x0], $0xffff;
	_ =	sdelay $0x1  }
0x1c: {  	v2 =	vmov s17  }
0x1d: {  	v2 =	vshll.u32 v2, $0x7  }
0x1e: {  	v2 =	vor.u32 v0, v2  }
0x1f: {  	v2 =	vor.u32 $0xF, v2;
	(erf) = vrcp.f32 v1;
	_ =	sdelay $0x4  }
0x20: {  	v1 =	vld.idx.msk [tilespmem:v2+s10+$0x0], $0xffff;
	_ =	sdelay $0x3  }
0x21: {  	v2 =	vpop (erf)  }
0x22: {  	v1 =	vmul.f32 v2, v1  }
0x23: {  	s15 =	simm.s32 $0xF180  }
0x24: {  	s17 =	simm.s32 $0x2790;
	[tilespmem:s15+$0x0] =	vst v1  }
0x25: {  	s16 =	simm.s32 $0x10;
	s18 =	simm.s32 $0x20;
	v1 =	vld [tilespmem:s17+$0x0]  }
.LBB2_3:
0x26: {  	p0 =	sne.s32 s18, $0x180;
	_ =	sdelay $0x6  }
0x27: {  	v1 =	vld.idx.msk [tilespmem:v1+s2+$0x0], $0xffff;
	_ =	sdelay $0x1  }
0x28: {  	v2 =	vmov s16;
	s16 =	smov.u32 s18  }
0x29: {  	v2 =	vshll.u32 v2, $0x7  }
0x2a: {  	v2 =	vor.u32 v0, v2  }
0x2b: {  	v2 =	vor.u32 $0xF, v2  }
0x2c: {  	(erf) = vrcp.f32 v1;
	_ =	sdelay $0x3  }
0x2d: {  	v1 =	vld.idx.msk [tilespmem:v2+s10+$0x0], $0xffff;
	_ =	sdelay $0x4  }
.Ltmp0:
0x2e: {  	v2 =	vpop (erf);
	(pc) =	sbr.rel @p0 .LBB2_3-.Ltmp0, $4  }
0x2f: {  	v1 =	vmul.f32 v2, v1  }
0x30: {  	s15 =	sadd.s32 $0x10, s15  }
0x31: {  	s17 =	sadd.s32 $0x10, s17;
	[tilespmem:s15+$0x0] =	vst v1  }
0x32: {  	s18 =	sadd.s32 $0x10, s18;
	v1 =	vld [tilespmem:s17+$0x0]  }
0x33: {  	_ =	sdelay $0x7  }
0x34: {  	v1 =	vld.idx.msk [tilespmem:v1+s2+$0x0], $0xffff;
	_ =	sdelay $0x1  }
0x35: {  	v2 =	vmov s16  }
0x36: {  	v2 =	vshll.u32 v2, $0x7  }
0x37: {  	v2 =	vor.u32 v0, v2  }
0x38: {  	v2 =	vor.u32 $0xF, v2;
	(erf) = vrcp.f32 v1;
	_ =	sdelay $0x4  }
0x39: {  	v1 =	vld.idx.msk [tilespmem:v2+s10+$0x0], $0xffff;
	_ =	sdelay $0x3  }
0x3a: {  	v2 =	vpop (erf)  }
0x3b: {  	s13 =	sadd.s32 $0x1, s13;
	v1 =	vmul.f32 v2, v1  }
0x3c: {  	s15 =	sadd.s32 $0x10, s15;
	p0 =	sne.s32 s13, $0x19  }
.Ltmp1:
0x3d: {  	s14 =	sadd.s32 s1, s14;
	[tilespmem:s15+$0x0] =	vst v1;
	(pc) =	sbr.rel @p0 .LBB2_2-.Ltmp1, $4  }
0x3e: {  	[hbm4b:s14+s2] =	stream.linear.scatter [tilespmem:s11], [sflag:$0x1], $0x190, $0x38;
	[tilespmem:$0xF380] =	vst v63  }
0x3f: {  	_ =	swait.ge [sflag:s9], $0x190  }
0x40: {  	[sflag:s9] =	ssyncset.done $0x0  }
0x41: {  	[sflag:s9] =	ssyncadd.s32 $0xFFFFFE70  }
0x42: {  	s12 =	sadd.s32 $0x1, s12  }
0x43: {  	p0 =	sne.s32 s12, s8  }
.Ltmp2:
0x44: {  	_ = 	snop;
	(pc) =	sbr.rel @p0 .LBB2_1-.Ltmp2, $1  }
0x45: {  	_ =	sdelay $0x3  }
0x46: {  	_ =	sfence.sel $0x180000  }
0x47: {  	[bflag:$0x0] =	sbarrier.arrive $0xFFFF  }
0x48: {  	p0 =	sne.s32 s3, $0x0;
	_ =	strace $0x90000050  }
0x49: {  	s0 =	sadd.s32 @!p0 $0x100000, s0;
	[bflag:$0x2] =	sbarrier.arrive $0xFFFF  }
0x4a: {  	[sflag:s0] =	ssyncadd.tile.s32 @!p0 $0x1;
	_ =	shalt  }
.Lfunc_end2:
_tile_overlayer_lowered:
.L_overlay_start_2:
0x4b: {  	(tag) =	ssettag $0x2  }
0x4c: {  	s0 =	rddreg [dreg:$0x0];
	s2 =	stileid.u32  }
0x4d: {  	s1 =	rddreg [dreg:$0x1];
	p0 =	sne.s32 s2, $0x0  }
0x4e: {  	s3 =	rddreg [dreg:$0x2];
	[bflag:$0x3] =	sbarrier.arrive $0xFFFF;
	s2 =	simm.s32 @!p0 $0x1C01  }
0x4f: {  	[timem:s3], [sflag:s2] =	dma.local @!p0 [hbm:s0], s1  }
0x50: {  	s0 =	simm.s32 @!p0 $0x1  }
0x51: {  	_ =	swait.ge @!p0 [sflag:s0], s1  }
0x52: {  	s1 =	ssub.s32 @!p0 $0x0, s1;
	[sflag:s0] =	ssyncset.done @!p0 $0x0  }
0x53: {  	[sflag:s0] =	ssyncadd.s32 @!p0 s1  }
0x54: {  	[bflag:$0x3] =	sbarrier.arrive $0xFFFF  }
0x55: {  	_ =	shalt  }

</sc_bundles>
